<compile_context>
chip_gen: v7x
topology: tpu7x:2x2x1
jax: 0.10.2.dev20260603
libtpu: 0.0.44.dev20260713+nightly
codegen_flags: <defaults>
</compile_context>

<pallas_src>
import functools

import jax
import jax.numpy as jnp
from jax import lax
from jax.experimental import pallas as pl
from jax.experimental.pallas import tpu as pltpu
from jax.experimental.pallas import tpu_sc as plsc

NUM_EMB = 100000
DIM = 64
SCALE = 10.0

NC = 2
NS = 16
NW = NC * NS

HN = 50
L = 16


@jax.jit
def _embed(xt, wp):
    B = xt.shape[1]
    n_bblk = B // 128

    mesh = plsc.VectorSubcoreMesh(core_axis_name="c", subcore_axis_name="s")

    @functools.partial(
        pl.kernel,
        out_type=jax.ShapeDtypeStruct((HN, DIM // 8, n_bblk, 8, 128), jnp.float32),
        mesh=mesh,
        scratch_types=[
            pltpu.VMEM((NUM_EMB,), jnp.float32),
            pltpu.VMEM((2, B), jnp.int32),
            pltpu.VMEM((2, n_bblk, 128), jnp.float32),
            pltpu.VMEM((2, n_bblk, 128), jnp.float32),
            pltpu.SemaphoreType.DMA,
            pltpu.SemaphoreType.DMA,
            pltpu.SemaphoreType.DMA,
            pltpu.SemaphoreType.DMA,
            pltpu.SemaphoreType.DMA,
            pltpu.SemaphoreType.DMA,
        ],
        compiler_params=pltpu.CompilerParams(
            use_tc_tiling_on_sc=False, needs_layout_passes=False
        ),
    )
    def k(wp_hbm, xt_hbm, out_hbm, wrow, idx2, stlo, sthi,
          sx0, sx1, sl0, sl1, sh0, sh1):
        sx = (sx0, sx1)
        slo = (sl0, sl1)
        shi = (sh0, sh1)
        wid = lax.axis_index("s") * NC + lax.axis_index("c")
        d_lo = wid
        d_hi = wid + NW
        tr_lo = lax.shift_right_logical(d_lo, 3)
        dr_lo = lax.bitwise_and(d_lo, 7)
        tr_hi = lax.shift_right_logical(d_hi, 3)
        dr_hi = lax.bitwise_and(d_hi, 7)

        def fire_idx(h, e):
            pltpu.async_copy(xt_hbm.at[h], idx2.at[e], sx[e])

        def wait_idx(e):
            pltpu.make_async_copy(xt_hbm.at[0], idx2.at[e], sx[e]).wait()

        def wait_write(st, sem, e):
            pltpu.make_async_copy(
                out_hbm.at[0, 0, :, 0, :], st.at[e], sem[e]
            ).wait()

        pltpu.sync_copy(wp_hbm.at[wid], wrow)
        fire_idx(0, 0)
        fire_idx(1, 1)

        def body(g, carry):
            for e in range(2):
                h = 2 * g + e
                wait_idx(e)

                @pl.when(g > 0)
                def _():
                    wait_write(stlo, slo, e)
                    wait_write(sthi, shi, e)

                dlo = stlo.at[e]
                dhi = sthi.at[e]

                @plsc.parallel_loop(0, B // L, step=1, unroll=8)
                def gather_i(i):
                    ii = idx2[e, pl.ds(i * L, L)]
                    v = plsc.load_gather(wrow, [ii])
                    u = plsc.bitcast(v, jnp.uint32)
                    vl = plsc.bitcast(
                        lax.shift_left(u, jnp.uint32(16)), jnp.float32
                    )
                    vh = plsc.bitcast(
                        lax.bitwise_and(u, jnp.uint32(0xFFFF0000)), jnp.float32
                    )
                    tcb = lax.shift_right_logical(i, 3)
                    off = lax.bitwise_and(i, 7) * L
                    dlo[tcb, pl.ds(off, L)] = vl
                    dhi[tcb, pl.ds(off, L)] = vh

                pltpu.async_copy(
                    stlo.at[e], out_hbm.at[h, tr_lo, :, dr_lo, :], slo[e]
                )
                pltpu.async_copy(
                    sthi.at[e], out_hbm.at[h, tr_hi, :, dr_hi, :], shi[e]
                )

                @pl.when(h + 2 < HN)
                def _():
                    fire_idx(h + 2, e)

            return carry

        lax.fori_loop(0, HN // 2, body, 0)
        for e in range(2):
            wait_write(stlo, slo, e)
            wait_write(sthi, shi, e)

    return k(wp, xt)


def kernel(x, weight):
    bsz, hist = x.shape
    xt = x.T.astype(jnp.int32)
    wt = weight.T

    def rnd(v):
        u = jax.lax.bitcast_convert_type(v * SCALE, jnp.uint32)
        return (
            u + jnp.uint32(0x7FFF) + ((u >> jnp.uint32(16)) & jnp.uint32(1))
        ) >> jnp.uint32(16)

    wp = jax.lax.bitcast_convert_type(
        (rnd(wt[DIM // 2 :]) << jnp.uint32(16)) | rnd(wt[: DIM // 2]),
        jnp.float32,
    )
    out5 = _embed(xt, wp)
    out = out5.transpose(2, 4, 0, 1, 3).reshape(bsz, hist, DIM)
    return out

# --- scband reference (transcript-rebuilt; emitter-appended) ---
"""Pipeline reference for scband-scaled-embedding-5626407158065 (READ-ONLY COPY).

The authoritative reference and input builder live on the scoring server;
editing this copy changes nothing except your own understanding.
"""

import jax, jax.numpy as jnp
import numpy as np

NUM_EMBEDDINGS = 100000
EMBEDDING_DIM = 64
SCALE = 10.0
BATCH = 4096
HIST_LEN = 50


def setup_inputs(seed: int = 0) -> dict:
    key = jax.random.key(seed)
    k1, k2 = jax.random.split(key)
    x = jax.random.randint(k1, (BATCH, HIST_LEN), 0, NUM_EMBEDDINGS, dtype=jnp.int64 if jax.config.jax_enable_x64 else jnp.int32)
    # nn.Embedding default init is N(0,1); module divides by scale at init
    weight = jax.random.normal(k2, (NUM_EMBEDDINGS, EMBEDDING_DIM), dtype=jnp.float32) / SCALE
    return {"x": x, "weight": weight}


def reference(x, weight):
    # ScaledEmbedding.forward: embedding(x) * scale
    return jnp.take(weight, x, axis=0) * SCALE

if __name__ == "__main__":
    import jax
    _d = setup_inputs()
    print(jax.jit(kernel)(*tuple(_d.values())))

</pallas_src>

<mosaic_0001>
#map = affine_map<(d0, d1) -> (0, 0)>
#map1 = affine_map<(d0, d1) -> (0, 0, 0, 0, 0)>
module attributes {stable_mosaic.version = 14 : i64} {
  func.func @k(%arg0: i32, %arg1: i32, %arg2: memref<32x100000xf32, #tpu.memory_space<hbm>>, %arg3: memref<50x4096xi32, #tpu.memory_space<hbm>>, %arg4: memref<50x8x32x8x128xf32, #tpu.memory_space<hbm>>, %arg5: memref<100000xf32, #tpu.memory_space<vmem>>, %arg6: memref<2x4096xi32, #tpu.memory_space<vmem>>, %arg7: memref<2x32x128xf32, #tpu.memory_space<vmem>>, %arg8: memref<2x32x128xf32, #tpu.memory_space<vmem>>, %arg9: memref<!tpu.dma_semaphore, #tpu.memory_space<semaphore_mem>>, %arg10: memref<!tpu.dma_semaphore, #tpu.memory_space<semaphore_mem>>, %arg11: memref<!tpu.dma_semaphore, #tpu.memory_space<semaphore_mem>>, %arg12: memref<!tpu.dma_semaphore, #tpu.memory_space<semaphore_mem>>, %arg13: memref<!tpu.dma_semaphore, #tpu.memory_space<semaphore_mem>>, %arg14: memref<!tpu.dma_semaphore, #tpu.memory_space<semaphore_mem>>) attributes {dimension_semantics = [#tpu.dimension_semantics<core_parallel>, #tpu.dimension_semantics<subcore_parallel>], iteration_bounds = array<i64: 2, 16>, scalar_prefetch = 0 : i64, scratch_operands = 10 : i64, tpu.core_type = #tpu.core_type<sc_vector_subcore>, window_params = [{transform_indices = #map}, {transform_indices = #map}, {transform_indices = #map1}]} {
    %mul3A = arith.constant 2 : i32
    %mul3A_0 = arith.muli %arg1, %mul3A : i32
    %add3A = arith.addi %mul3A_0, %arg0 : i32
    %add3A_1 = arith.constant 32 : i32
    %add3A_2 = arith.addi %add3A, %add3A_1 : i32
    %shift_right_logical3A = arith.constant 3 : i32
    %shift_right_logical3A_3 = arith.shrui %add3A, %shift_right_logical3A : i32
    %and3A = arith.constant 7 : i32
    %and3A_4 = arith.andi %add3A, %and3A : i32
    %shift_right_logical3A_5 = arith.constant 3 : i32
    %shift_right_logical3A_6 = arith.shrui %add3A_2, %shift_right_logical3A_5 : i32
    %and3A_7 = arith.constant 7 : i32
    %and3A_8 = arith.andi %add3A_2, %and3A_7 : i32
    "tpu.region"() ({
      %run_scoped3A = tpu.sem_alloc : memref<!tpu.dma_semaphore, #tpu.memory_space<semaphore_mem>>
      %dma_start3A_120 = arith.constant 0 : i32
      %dma_start3A_121 = tpu.memref_slice %arg2[%add3A, %dma_start3A_120] : memref<32x100000xf32, #tpu.memory_space<hbm>> -> memref<1x100000xf32, #tpu.memory_space<hbm>>
      %dma_start3A_122 = tpu.memref_squeeze %dma_start3A_121 : memref<1x100000xf32, #tpu.memory_space<hbm>> -> memref<100000xf32, #tpu.memory_space<hbm>>
      %dma_start3A_123 = arith.constant 0 : i32
      %dma_start3A_124 = tpu.memref_slice %arg2[%add3A, %dma_start3A_123] : memref<32x100000xf32, #tpu.memory_space<hbm>> -> memref<1x100000xf32, #tpu.memory_space<hbm>>
      %dma_start3A_125 = tpu.memref_squeeze %dma_start3A_124 : memref<1x100000xf32, #tpu.memory_space<hbm>> -> memref<100000xf32, #tpu.memory_space<hbm>>
      tpu.enqueue_dma source(%dma_start3A_125 : memref<100000xf32, #tpu.memory_space<hbm>>) target(%arg5 : memref<100000xf32, #tpu.memory_space<vmem>>) target_semaphore(%run_scoped3A : memref<!tpu.dma_semaphore, #tpu.memory_space<semaphore_mem>>)
      %dma_wait3A_126 = arith.constant 0 : i32
      %dma_wait3A_127 = tpu.memref_slice %arg2[%add3A, %dma_wait3A_126] : memref<32x100000xf32, #tpu.memory_space<hbm>> -> memref<1x100000xf32, #tpu.memory_space<hbm>>
      %dma_wait3A_128 = tpu.memref_squeeze %dma_wait3A_127 : memref<1x100000xf32, #tpu.memory_space<hbm>> -> memref<100000xf32, #tpu.memory_space<hbm>>
      %dma_wait3A_129 = arith.constant 0 : i32
      %dma_wait3A_130 = tpu.memref_slice %arg2[%add3A, %dma_wait3A_129] : memref<32x100000xf32, #tpu.memory_space<hbm>> -> memref<1x100000xf32, #tpu.memory_space<hbm>>
      %dma_wait3A_131 = tpu.memref_squeeze %dma_wait3A_130 : memref<1x100000xf32, #tpu.memory_space<hbm>> -> memref<100000xf32, #tpu.memory_space<hbm>>
      tpu.wait_dma2 semaphore(%run_scoped3A : memref<!tpu.dma_semaphore, #tpu.memory_space<semaphore_mem>>) src(%dma_wait3A_131 : memref<100000xf32, #tpu.memory_space<hbm>>) dst(%arg5 : memref<100000xf32, #tpu.memory_space<vmem>>)
      tpu.yield
    }) : () -> ()
    %dma_start3A = arith.constant 0 : i32
    %dma_start3A_9 = arith.constant 0 : i32
    %dma_start3A_10 = arith.constant 0 : i32
    %dma_start3A_11 = tpu.memref_slice %arg6[%dma_start3A_9, %dma_start3A_10] : memref<2x4096xi32, #tpu.memory_space<vmem>> -> memref<1x4096xi32, #tpu.memory_space<vmem>>
    %dma_start3A_12 = tpu.memref_squeeze %dma_start3A_11 : memref<1x4096xi32, #tpu.memory_space<vmem>> -> memref<4096xi32, #tpu.memory_space<vmem>>
    %dma_start3A_13 = arith.constant 0 : i32
    %dma_start3A_14 = tpu.memref_slice %arg3[%dma_start3A, %dma_start3A_13] : memref<50x4096xi32, #tpu.memory_space<hbm>> -> memref<1x4096xi32, #tpu.memory_space<hbm>>
    %dma_start3A_15 = tpu.memref_squeeze %dma_start3A_14 : memref<1x4096xi32, #tpu.memory_space<hbm>> -> memref<4096xi32, #tpu.memory_space<hbm>>
    %dma_start3A_16 = arith.constant 0 : i32
    %dma_start3A_17 = tpu.memref_slice %arg6[%dma_start3A_9, %dma_start3A_16] : memref<2x4096xi32, #tpu.memory_space<vmem>> -> memref<1x4096xi32, #tpu.memory_space<vmem>>
    %dma_start3A_18 = tpu.memref_squeeze %dma_start3A_17 : memref<1x4096xi32, #tpu.memory_space<vmem>> -> memref<4096xi32, #tpu.memory_space<vmem>>
    %dma_start3A_19 = arith.constant 0 : i32
    %dma_start3A_20 = tpu.memref_slice %arg3[%dma_start3A, %dma_start3A_19] : memref<50x4096xi32, #tpu.memory_space<hbm>> -> memref<1x4096xi32, #tpu.memory_space<hbm>>
    %dma_start3A_21 = tpu.memref_squeeze %dma_start3A_20 : memref<1x4096xi32, #tpu.memory_space<hbm>> -> memref<4096xi32, #tpu.memory_space<hbm>>
    tpu.enqueue_dma source(%dma_start3A_21 : memref<4096xi32, #tpu.memory_space<hbm>>) target(%dma_start3A_18 : memref<4096xi32, #tpu.memory_space<vmem>>) target_semaphore(%arg9 : memref<!tpu.dma_semaphore, #tpu.memory_space<semaphore_mem>>)
    %dma_start3A_22 = arith.constant 1 : i32
    %dma_start3A_23 = arith.constant 1 : i32
    %dma_start3A_24 = arith.constant 0 : i32
    %dma_start3A_25 = tpu.memref_slice %arg6[%dma_start3A_23, %dma_start3A_24] : memref<2x4096xi32, #tpu.memory_space<vmem>> -> memref<1x4096xi32, #tpu.memory_space<vmem>>
    %dma_start3A_26 = tpu.memref_squeeze %dma_start3A_25 : memref<1x4096xi32, #tpu.memory_space<vmem>> -> memref<4096xi32, #tpu.memory_space<vmem>>
    %dma_start3A_27 = arith.constant 0 : i32
    %dma_start3A_28 = tpu.memref_slice %arg3[%dma_start3A_22, %dma_start3A_27] : memref<50x4096xi32, #tpu.memory_space<hbm>> -> memref<1x4096xi32, #tpu.memory_space<hbm>>
    %dma_start3A_29 = tpu.memref_squeeze %dma_start3A_28 : memref<1x4096xi32, #tpu.memory_space<hbm>> -> memref<4096xi32, #tpu.memory_space<hbm>>
    %dma_start3A_30 = arith.constant 0 : i32
    %dma_start3A_31 = tpu.memref_slice %arg6[%dma_start3A_23, %dma_start3A_30] : memref<2x4096xi32, #tpu.memory_space<vmem>> -> memref<1x4096xi32, #tpu.memory_space<vmem>>
    %dma_start3A_32 = tpu.memref_squeeze %dma_start3A_31 : memref<1x4096xi32, #tpu.memory_space<vmem>> -> memref<4096xi32, #tpu.memory_space<vmem>>
    %dma_start3A_33 = arith.constant 0 : i32
    %dma_start3A_34 = tpu.memref_slice %arg3[%dma_start3A_22, %dma_start3A_33] : memref<50x4096xi32, #tpu.memory_space<hbm>> -> memref<1x4096xi32, #tpu.memory_space<hbm>>
    %dma_start3A_35 = tpu.memref_squeeze %dma_start3A_34 : memref<1x4096xi32, #tpu.memory_space<hbm>> -> memref<4096xi32, #tpu.memory_space<hbm>>
    tpu.enqueue_dma source(%dma_start3A_35 : memref<4096xi32, #tpu.memory_space<hbm>>) target(%dma_start3A_32 : memref<4096xi32, #tpu.memory_space<vmem>>) target_semaphore(%arg10 : memref<!tpu.dma_semaphore, #tpu.memory_space<semaphore_mem>>)
    %scan3A = arith.constant 0 : i32
    %scan3A_36 = arith.constant 0 : i32
    %scan3A_37 = arith.constant 25 : i32
    %scan3A_38 = arith.addi %scan3A_36, %scan3A_37 : i32
    %scan3A_39 = arith.constant 1 : i32
    scf.for %scan3A_120 = %scan3A_36 to %scan3A_38 step %scan3A_39  : i32 {
      %mul3A_121 = arith.constant 2 : i32
      %mul3A_122 = arith.muli %mul3A_121, %scan3A_120 : i32
      %add3A_123 = arith.constant 0 : i32
      %add3A_124 = arith.addi %mul3A_122, %add3A_123 : i32
      %dma_wait3A_125 = arith.constant 0 : i32
      %dma_wait3A_126 = arith.constant 0 : i32
      %dma_wait3A_127 = arith.constant 0 : i32
      %dma_wait3A_128 = tpu.memref_slice %arg6[%dma_wait3A_126, %dma_wait3A_127] : memref<2x4096xi32, #tpu.memory_space<vmem>> -> memref<1x4096xi32, #tpu.memory_space<vmem>>
      %dma_wait3A_129 = tpu.memref_squeeze %dma_wait3A_128 : memref<1x4096xi32, #tpu.memory_space<vmem>> -> memref<4096xi32, #tpu.memory_space<vmem>>
      %dma_wait3A_130 = arith.constant 0 : i32
      %dma_wait3A_131 = tpu.memref_slice %arg3[%dma_wait3A_125, %dma_wait3A_130] : memref<50x4096xi32, #tpu.memory_space<hbm>> -> memref<1x4096xi32, #tpu.memory_space<hbm>>
      %dma_wait3A_132 = tpu.memref_squeeze %dma_wait3A_131 : memref<1x4096xi32, #tpu.memory_space<hbm>> -> memref<4096xi32, #tpu.memory_space<hbm>>
      %dma_wait3A_133 = arith.constant 0 : i32
      %dma_wait3A_134 = tpu.memref_slice %arg6[%dma_wait3A_126, %dma_wait3A_133] : memref<2x4096xi32, #tpu.memory_space<vmem>> -> memref<1x4096xi32, #tpu.memory_space<vmem>>
      %dma_wait3A_135 = tpu.memref_squeeze %dma_wait3A_134 : memref<1x4096xi32, #tpu.memory_space<vmem>> -> memref<4096xi32, #tpu.memory_space<vmem>>
      %dma_wait3A_136 = arith.constant 0 : i32
      %dma_wait3A_137 = tpu.memref_slice %arg3[%dma_wait3A_125, %dma_wait3A_136] : memref<50x4096xi32, #tpu.memory_space<hbm>> -> memref<1x4096xi32, #tpu.memory_space<hbm>>
      %dma_wait3A_138 = tpu.memref_squeeze %dma_wait3A_137 : memref<1x4096xi32, #tpu.memory_space<hbm>> -> memref<4096xi32, #tpu.memory_space<hbm>>
      tpu.wait_dma2 semaphore(%arg9 : memref<!tpu.dma_semaphore, #tpu.memory_space<semaphore_mem>>) src(%dma_wait3A_138 : memref<4096xi32, #tpu.memory_space<hbm>>) dst(%dma_wait3A_135 : memref<4096xi32, #tpu.memory_space<vmem>>)
      %gt3A = arith.constant 0 : i32
      %gt3A_139 = arith.cmpi sgt, %scan3A_120, %gt3A : i32
      %convert_element_type3A = arith.extui %gt3A_139 : i1 to i32
      %cond3A = arith.constant 0 : i32
      %cond3A_140 = arith.cmpi ne, %convert_element_type3A, %cond3A : i32
      scf.if %cond3A_140 {
        %dma_wait3A_254 = arith.constant 0 : i32
        %dma_wait3A_255 = arith.constant 0 : i32
        %dma_wait3A_256 = arith.constant 0 : i32
        %dma_wait3A_257 = arith.constant 0 : i32
        %dma_wait3A_258 = arith.constant 0 : i32
        %dma_wait3A_259 = arith.constant 0 : i32
        %dma_wait3A_260 = tpu.memref_slice %arg7[%dma_wait3A_257, %dma_wait3A_258, %dma_wait3A_259] : memref<2x32x128xf32, #tpu.memory_space<vmem>> -> memref<1x32x128xf32, #tpu.memory_space<vmem>>
        %dma_wait3A_261 = tpu.memref_squeeze %dma_wait3A_260 : memref<1x32x128xf32, #tpu.memory_space<vmem>> -> memref<32x128xf32, #tpu.memory_space<vmem>>
        %dma_wait3A_262 = arith.constant 0 : i32
        %dma_wait3A_263 = arith.constant 0 : i32
        %dma_wait3A_264 = tpu.memref_slice %arg4[%dma_wait3A_254, %dma_wait3A_255, %dma_wait3A_262, %dma_wait3A_256, %dma_wait3A_263] : memref<50x8x32x8x128xf32, #tpu.memory_space<hbm>> -> memref<1x1x32x1x128xf32, #tpu.memory_space<hbm>>
        %dma_wait3A_265 = tpu.memref_squeeze %dma_wait3A_264 : memref<1x1x32x1x128xf32, #tpu.memory_space<hbm>> -> memref<32x128xf32, #tpu.memory_space<hbm>>
        %dma_wait3A_266 = arith.constant 0 : i32
        %dma_wait3A_267 = arith.constant 0 : i32
        %dma_wait3A_268 = tpu.memref_slice %arg7[%dma_wait3A_257, %dma_wait3A_266, %dma_wait3A_267] : memref<2x32x128xf32, #tpu.memory_space<vmem>> -> memref<1x32x128xf32, #tpu.memory_space<vmem>>
        %dma_wait3A_269 = tpu.memref_squeeze %dma_wait3A_268 : memref<1x32x128xf32, #tpu.memory_space<vmem>> -> memref<32x128xf32, #tpu.memory_space<vmem>>
        %dma_wait3A_270 = arith.constant 0 : i32
        %dma_wait3A_271 = arith.constant 0 : i32
        %dma_wait3A_272 = tpu.memref_slice %arg4[%dma_wait3A_254, %dma_wait3A_255, %dma_wait3A_270, %dma_wait3A_256, %dma_wait3A_271] : memref<50x8x32x8x128xf32, #tpu.memory_space<hbm>> -> memref<1x1x32x1x128xf32, #tpu.memory_space<hbm>>
        %dma_wait3A_273 = tpu.memref_squeeze %dma_wait3A_272 : memref<1x1x32x1x128xf32, #tpu.memory_space<hbm>> -> memref<32x128xf32, #tpu.memory_space<hbm>>
        tpu.wait_dma2 semaphore(%arg11 : memref<!tpu.dma_semaphore, #tpu.memory_space<semaphore_mem>>) src(%dma_wait3A_273 : memref<32x128xf32, #tpu.memory_space<hbm>>) dst(%dma_wait3A_269 : memref<32x128xf32, #tpu.memory_space<vmem>>)
        %dma_wait3A_274 = arith.constant 0 : i32
        %dma_wait3A_275 = arith.constant 0 : i32
        %dma_wait3A_276 = arith.constant 0 : i32
        %dma_wait3A_277 = arith.constant 0 : i32
        %dma_wait3A_278 = arith.constant 0 : i32
        %dma_wait3A_279 = arith.constant 0 : i32
        %dma_wait3A_280 = tpu.memref_slice %arg8[%dma_wait3A_277, %dma_wait3A_278, %dma_wait3A_279] : memref<2x32x128xf32, #tpu.memory_space<vmem>> -> memref<1x32x128xf32, #tpu.memory_space<vmem>>
        %dma_wait3A_281 = tpu.memref_squeeze %dma_wait3A_280 : memref<1x32x128xf32, #tpu.memory_space<vmem>> -> memref<32x128xf32, #tpu.memory_space<vmem>>
        %dma_wait3A_282 = arith.constant 0 : i32
        %dma_wait3A_283 = arith.constant 0 : i32
        %dma_wait3A_284 = tpu.memref_slice %arg4[%dma_wait3A_274, %dma_wait3A_275, %dma_wait3A_282, %dma_wait3A_276, %dma_wait3A_283] : memref<50x8x32x8x128xf32, #tpu.memory_space<hbm>> -> memref<1x1x32x1x128xf32, #tpu.memory_space<hbm>>
        %dma_wait3A_285 = tpu.memref_squeeze %dma_wait3A_284 : memref<1x1x32x1x128xf32, #tpu.memory_space<hbm>> -> memref<32x128xf32, #tpu.memory_space<hbm>>
        %dma_wait3A_286 = arith.constant 0 : i32
        %dma_wait3A_287 = arith.constant 0 : i32
        %dma_wait3A_288 = tpu.memref_slice %arg8[%dma_wait3A_277, %dma_wait3A_286, %dma_wait3A_287] : memref<2x32x128xf32, #tpu.memory_space<vmem>> -> memref<1x32x128xf32, #tpu.memory_space<vmem>>
        %dma_wait3A_289 = tpu.memref_squeeze %dma_wait3A_288 : memref<1x32x128xf32, #tpu.memory_space<vmem>> -> memref<32x128xf32, #tpu.memory_space<vmem>>
        %dma_wait3A_290 = arith.constant 0 : i32
        %dma_wait3A_291 = arith.constant 0 : i32
        %dma_wait3A_292 = tpu.memref_slice %arg4[%dma_wait3A_274, %dma_wait3A_275, %dma_wait3A_290, %dma_wait3A_276, %dma_wait3A_291] : memref<50x8x32x8x128xf32, #tpu.memory_space<hbm>> -> memref<1x1x32x1x128xf32, #tpu.memory_space<hbm>>
        %dma_wait3A_293 = tpu.memref_squeeze %dma_wait3A_292 : memref<1x1x32x1x128xf32, #tpu.memory_space<hbm>> -> memref<32x128xf32, #tpu.memory_space<hbm>>
        tpu.wait_dma2 semaphore(%arg13 : memref<!tpu.dma_semaphore, #tpu.memory_space<semaphore_mem>>) src(%dma_wait3A_293 : memref<32x128xf32, #tpu.memory_space<hbm>>) dst(%dma_wait3A_289 : memref<32x128xf32, #tpu.memory_space<vmem>>)
      } else {
      }
      %parallel_loop3A = arith.constant 0 : i32
      %parallel_loop3A_141 = arith.constant 256 : i32
      %parallel_loop3A_142 = arith.constant 1 : i32
      %parallel_loop3A_143 = arith.constant 0 : i32
      %parallel_loop3A_144 = arith.constant 0 : i32
      scf.for %parallel_loop3A_254 = %parallel_loop3A to %parallel_loop3A_141 step %parallel_loop3A_142  : i32 {
        %parallel_loop3A_255 = arith.constant 16 : i32
        %parallel_loop3A_256 = arith.muli %parallel_loop3A_254, %parallel_loop3A_255 : i32
        %parallel_loop3A_257 = arith.constant 0 : i32
        %parallel_loop3A_258 = arith.index_cast %parallel_loop3A_257 : i32 to index
        %parallel_loop3A_259 = arith.index_cast %parallel_loop3A_256 : i32 to index
        %parallel_loop3A_260 = tpu.vector_load %arg6[%parallel_loop3A_258, %parallel_loop3A_259] {strides = array<i32>} : memref<2x4096xi32, #tpu.memory_space<vmem>>, vector<16xi32>,
        %parallel_loop3A_261 = tpu.vector_load_idx %arg5[%parallel_loop3A_260] : memref<100000xf32, #tpu.memory_space<vmem>>[vector<16xi32>], vector<16xf32>,
        %parallel_loop3A_262 = vector.bitcast %parallel_loop3A_261 : vector<16xf32> to vector<16xi32>
        %parallel_loop3A_263 = arith.constant 16 : i32
        %parallel_loop3A_264 = vector.broadcast %parallel_loop3A_263 : i32 to vector<16xi32>
        %parallel_loop3A_265 = arith.shli %parallel_loop3A_262, %parallel_loop3A_264 : vector<16xi32>
        %parallel_loop3A_266 = vector.bitcast %parallel_loop3A_265 : vector<16xi32> to vector<16xf32>
        %parallel_loop3A_267 = arith.constant -65536 : i32
        %parallel_loop3A_268 = vector.broadcast %parallel_loop3A_267 : i32 to vector<16xi32>
        %parallel_loop3A_269 = arith.andi %parallel_loop3A_262, %parallel_loop3A_268 : vector<16xi32>
        %parallel_loop3A_270 = vector.bitcast %parallel_loop3A_269 : vector<16xi32> to vector<16xf32>
        %parallel_loop3A_271 = arith.constant 3 : i32
        %parallel_loop3A_272 = arith.shrui %parallel_loop3A_254, %parallel_loop3A_271 : i32
        %parallel_loop3A_273 = arith.constant 7 : i32
        %parallel_loop3A_274 = arith.andi %parallel_loop3A_254, %parallel_loop3A_273 : i32
        %parallel_loop3A_275 = arith.constant 16 : i32
        %parallel_loop3A_276 = arith.muli %parallel_loop3A_274, %parallel_loop3A_275 : i32
        %parallel_loop3A_277 = arith.constant 0 : i32
        %parallel_loop3A_278 = arith.constant 0 : i32
        %parallel_loop3A_279 = tpu.memref_slice %arg7[%parallel_loop3A_143, %parallel_loop3A_277, %parallel_loop3A_278] : memref<2x32x128xf32, #tpu.memory_space<vmem>> -> memref<1x32x128xf32, #tpu.memory_space<vmem>>
        %parallel_loop3A_280 = tpu.memref_squeeze %parallel_loop3A_279 : memref<1x32x128xf32, #tpu.memory_space<vmem>> -> memref<32x128xf32, #tpu.memory_space<vmem>>
        %parallel_loop3A_281 = arith.index_cast %parallel_loop3A_272 : i32 to index
        %parallel_loop3A_282 = arith.index_cast %parallel_loop3A_276 : i32 to index
        %parallel_loop3A_283 = tpu.vector_load %parallel_loop3A_280[%parallel_loop3A_281, %parallel_loop3A_282] {strides = array<i32>} : memref<32x128xf32, #tpu.memory_space<vmem>>, vector<16xf32>,
        tpu.vector_store %parallel_loop3A_280[%parallel_loop3A_281, %parallel_loop3A_282], %parallel_loop3A_266 {strides = array<i32>} : memref<32x128xf32, #tpu.memory_space<vmem>>, vector<16xf32>,
        %parallel_loop3A_284 = arith.constant 0 : i32
        %parallel_loop3A_285 = arith.constant 0 : i32
        %parallel_loop3A_286 = tpu.memref_slice %arg8[%parallel_loop3A_144, %parallel_loop3A_284, %parallel_loop3A_285] : memref<2x32x128xf32, #tpu.memory_space<vmem>> -> memref<1x32x128xf32, #tpu.memory_space<vmem>>
        %parallel_loop3A_287 = tpu.memref_squeeze %parallel_loop3A_286 : memref<1x32x128xf32, #tpu.memory_space<vmem>> -> memref<32x128xf32, #tpu.memory_space<vmem>>
        %parallel_loop3A_288 = arith.index_cast %parallel_loop3A_272 : i32 to index
        %parallel_loop3A_289 = arith.index_cast %parallel_loop3A_276 : i32 to index
        %parallel_loop3A_290 = tpu.vector_load %parallel_loop3A_287[%parallel_loop3A_288, %parallel_loop3A_289] {strides = array<i32>} : memref<32x128xf32, #tpu.memory_space<vmem>>, vector<16xf32>,
        tpu.vector_store %parallel_loop3A_287[%parallel_loop3A_288, %parallel_loop3A_289], %parallel_loop3A_270 {strides = array<i32>} : memref<32x128xf32, #tpu.memory_space<vmem>>, vector<16xf32>,
      } {sc.loop_unroll_factor = 8 : i64, sc.parallel_access}
      %dma_start3A_145 = arith.constant 0 : i32
      %dma_start3A_146 = arith.constant 0 : i32
      %dma_start3A_147 = arith.constant 0 : i32
      %dma_start3A_148 = tpu.memref_slice %arg7[%dma_start3A_145, %dma_start3A_146, %dma_start3A_147] : memref<2x32x128xf32, #tpu.memory_space<vmem>> -> memref<1x32x128xf32, #tpu.memory_space<vmem>>
      %dma_start3A_149 = tpu.memref_squeeze %dma_start3A_148 : memref<1x32x128xf32, #tpu.memory_space<vmem>> -> memref<32x128xf32, #tpu.memory_space<vmem>>
      %dma_start3A_150 = arith.constant 0 : i32
      %dma_start3A_151 = arith.constant 0 : i32
      %dma_start3A_152 = tpu.memref_slice %arg4[%add3A_124, %shift_right_logical3A_3, %dma_start3A_150, %and3A_4, %dma_start3A_151] : memref<50x8x32x8x128xf32, #tpu.memory_space<hbm>> -> memref<1x1x32x1x128xf32, #tpu.memory_space<hbm>>
      %dma_start3A_153 = tpu.memref_squeeze %dma_start3A_152 : memref<1x1x32x1x128xf32, #tpu.memory_space<hbm>> -> memref<32x128xf32, #tpu.memory_space<hbm>>
      %dma_start3A_154 = arith.constant 0 : i32
      %dma_start3A_155 = arith.constant 0 : i32
      %dma_start3A_156 = tpu.memref_slice %arg4[%add3A_124, %shift_right_logical3A_3, %dma_start3A_154, %and3A_4, %dma_start3A_155] : memref<50x8x32x8x128xf32, #tpu.memory_space<hbm>> -> memref<1x1x32x1x128xf32, #tpu.memory_space<hbm>>
      %dma_start3A_157 = tpu.memref_squeeze %dma_start3A_156 : memref<1x1x32x1x128xf32, #tpu.memory_space<hbm>> -> memref<32x128xf32, #tpu.memory_space<hbm>>
      %dma_start3A_158 = arith.constant 0 : i32
      %dma_start3A_159 = arith.constant 0 : i32
      %dma_start3A_160 = tpu.memref_slice %arg7[%dma_start3A_145, %dma_start3A_158, %dma_start3A_159] : memref<2x32x128xf32, #tpu.memory_space<vmem>> -> memref<1x32x128xf32, #tpu.memory_space<vmem>>
      %dma_start3A_161 = tpu.memref_squeeze %dma_start3A_160 : memref<1x32x128xf32, #tpu.memory_space<vmem>> -> memref<32x128xf32, #tpu.memory_space<vmem>>
      tpu.enqueue_dma source(%dma_start3A_161 : memref<32x128xf32, #tpu.memory_space<vmem>>) target(%dma_start3A_157 : memref<32x128xf32, #tpu.memory_space<hbm>>) target_semaphore(%arg11 : memref<!tpu.dma_semaphore, #tpu.memory_space<semaphore_mem>>)
      %dma_start3A_162 = arith.constant 0 : i32
      %dma_start3A_163 = arith.constant 0 : i32
      %dma_start3A_164 = arith.constant 0 : i32
      %dma_start3A_165 = tpu.memref_slice %arg8[%dma_start3A_162, %dma_start3A_163, %dma_start3A_164] : memref<2x32x128xf32, #tpu.memory_space<vmem>> -> memref<1x32x128xf32, #tpu.memory_space<vmem>>
      %dma_start3A_166 = tpu.memref_squeeze %dma_start3A_165 : memref<1x32x128xf32, #tpu.memory_space<vmem>> -> memref<32x128xf32, #tpu.memory_space<vmem>>
      %dma_start3A_167 = arith.constant 0 : i32
      %dma_start3A_168 = arith.constant 0 : i32
      %dma_start3A_169 = tpu.memref_slice %arg4[%add3A_124, %shift_right_logical3A_6, %dma_start3A_167, %and3A_8, %dma_start3A_168] : memref<50x8x32x8x128xf32, #tpu.memory_space<hbm>> -> memref<1x1x32x1x128xf32, #tpu.memory_space<hbm>>
      %dma_start3A_170 = tpu.memref_squeeze %dma_start3A_169 : memref<1x1x32x1x128xf32, #tpu.memory_space<hbm>> -> memref<32x128xf32, #tpu.memory_space<hbm>>
      %dma_start3A_171 = arith.constant 0 : i32
      %dma_start3A_172 = arith.constant 0 : i32
      %dma_start3A_173 = tpu.memref_slice %arg4[%add3A_124, %shift_right_logical3A_6, %dma_start3A_171, %and3A_8, %dma_start3A_172] : memref<50x8x32x8x128xf32, #tpu.memory_space<hbm>> -> memref<1x1x32x1x128xf32, #tpu.memory_space<hbm>>
      %dma_start3A_174 = tpu.memref_squeeze %dma_start3A_173 : memref<1x1x32x1x128xf32, #tpu.memory_space<hbm>> -> memref<32x128xf32, #tpu.memory_space<hbm>>
      %dma_start3A_175 = arith.constant 0 : i32
      %dma_start3A_176 = arith.constant 0 : i32
      %dma_start3A_177 = tpu.memref_slice %arg8[%dma_start3A_162, %dma_start3A_175, %dma_start3A_176] : memref<2x32x128xf32, #tpu.memory_space<vmem>> -> memref<1x32x128xf32, #tpu.memory_space<vmem>>
      %dma_start3A_178 = tpu.memref_squeeze %dma_start3A_177 : memref<1x32x128xf32, #tpu.memory_space<vmem>> -> memref<32x128xf32, #tpu.memory_space<vmem>>
      tpu.enqueue_dma source(%dma_start3A_178 : memref<32x128xf32, #tpu.memory_space<vmem>>) target(%dma_start3A_174 : memref<32x128xf32, #tpu.memory_space<hbm>>) target_semaphore(%arg13 : memref<!tpu.dma_semaphore, #tpu.memory_space<semaphore_mem>>)
      %add3A_179 = arith.constant 2 : i32
      %add3A_180 = arith.addi %add3A_124, %add3A_179 : i32
      %lt3A = arith.constant 50 : i32
      %lt3A_181 = arith.cmpi slt, %add3A_180, %lt3A : i32
      %convert_element_type3A_182 = arith.extui %lt3A_181 : i1 to i32
      %cond3A_183 = arith.constant 0 : i32
      %cond3A_184 = arith.cmpi ne, %convert_element_type3A_182, %cond3A_183 : i32
      scf.if %cond3A_184 {
        %add3A_254 = arith.constant 2 : i32
        %add3A_255 = arith.addi %add3A_124, %add3A_254 : i32
        %dma_start3A_256 = arith.constant 0 : i32
        %dma_start3A_257 = arith.constant 0 : i32
        %dma_start3A_258 = tpu.memref_slice %arg6[%dma_start3A_256, %dma_start3A_257] : memref<2x4096xi32, #tpu.memory_space<vmem>> -> memref<1x4096xi32, #tpu.memory_space<vmem>>
        %dma_start3A_259 = tpu.memref_squeeze %dma_start3A_258 : memref<1x4096xi32, #tpu.memory_space<vmem>> -> memref<4096xi32, #tpu.memory_space<vmem>>
        %dma_start3A_260 = arith.constant 0 : i32
        %dma_start3A_261 = tpu.memref_slice %arg3[%add3A_255, %dma_start3A_260] : memref<50x4096xi32, #tpu.memory_space<hbm>> -> memref<1x4096xi32, #tpu.memory_space<hbm>>
        %dma_start3A_262 = tpu.memref_squeeze %dma_start3A_261 : memref<1x4096xi32, #tpu.memory_space<hbm>> -> memref<4096xi32, #tpu.memory_space<hbm>>
        %dma_start3A_263 = arith.constant 0 : i32
        %dma_start3A_264 = tpu.memref_slice %arg6[%dma_start3A_256, %dma_start3A_263] : memref<2x4096xi32, #tpu.memory_space<vmem>> -> memref<1x4096xi32, #tpu.memory_space<vmem>>
        %dma_start3A_265 = tpu.memref_squeeze %dma_start3A_264 : memref<1x4096xi32, #tpu.memory_space<vmem>> -> memref<4096xi32, #tpu.memory_space<vmem>>
        %dma_start3A_266 = arith.constant 0 : i32
        %dma_start3A_267 = tpu.memref_slice %arg3[%add3A_255, %dma_start3A_266] : memref<50x4096xi32, #tpu.memory_space<hbm>> -> memref<1x4096xi32, #tpu.memory_space<hbm>>
        %dma_start3A_268 = tpu.memref_squeeze %dma_start3A_267 : memref<1x4096xi32, #tpu.memory_space<hbm>> -> memref<4096xi32, #tpu.memory_space<hbm>>
        tpu.enqueue_dma source(%dma_start3A_268 : memref<4096xi32, #tpu.memory_space<hbm>>) target(%dma_start3A_265 : memref<4096xi32, #tpu.memory_space<vmem>>) target_semaphore(%arg9 : memref<!tpu.dma_semaphore, #tpu.memory_space<semaphore_mem>>)
      } else {
      }
      %mul3A_185 = arith.constant 2 : i32
      %mul3A_186 = arith.muli %mul3A_185, %scan3A_120 : i32
      %add3A_187 = arith.constant 1 : i32
      %add3A_188 = arith.addi %mul3A_186, %add3A_187 : i32
      %dma_wait3A_189 = arith.constant 0 : i32
      %dma_wait3A_190 = arith.constant 1 : i32
      %dma_wait3A_191 = arith.constant 0 : i32
      %dma_wait3A_192 = tpu.memref_slice %arg6[%dma_wait3A_190, %dma_wait3A_191] : memref<2x4096xi32, #tpu.memory_space<vmem>> -> memref<1x4096xi32, #tpu.memory_space<vmem>>
      %dma_wait3A_193 = tpu.memref_squeeze %dma_wait3A_192 : memref<1x4096xi32, #tpu.memory_space<vmem>> -> memref<4096xi32, #tpu.memory_space<vmem>>
      %dma_wait3A_194 = arith.constant 0 : i32
      %dma_wait3A_195 = tpu.memref_slice %arg3[%dma_wait3A_189, %dma_wait3A_194] : memref<50x4096xi32, #tpu.memory_space<hbm>> -> memref<1x4096xi32, #tpu.memory_space<hbm>>
      %dma_wait3A_196 = tpu.memref_squeeze %dma_wait3A_195 : memref<1x4096xi32, #tpu.memory_space<hbm>> -> memref<4096xi32, #tpu.memory_space<hbm>>
      %dma_wait3A_197 = arith.constant 0 : i32
      %dma_wait3A_198 = tpu.memref_slice %arg6[%dma_wait3A_190, %dma_wait3A_197] : memref<2x4096xi32, #tpu.memory_space<vmem>> -> memref<1x4096xi32, #tpu.memory_space<vmem>>
      %dma_wait3A_199 = tpu.memref_squeeze %dma_wait3A_198 : memref<1x4096xi32, #tpu.memory_space<vmem>> -> memref<4096xi32, #tpu.memory_space<vmem>>
      %dma_wait3A_200 = arith.constant 0 : i32
      %dma_wait3A_201 = tpu.memref_slice %arg3[%dma_wait3A_189, %dma_wait3A_200] : memref<50x4096xi32, #tpu.memory_space<hbm>> -> memref<1x4096xi32, #tpu.memory_space<hbm>>
      %dma_wait3A_202 = tpu.memref_squeeze %dma_wait3A_201 : memref<1x4096xi32, #tpu.memory_space<hbm>> -> memref<4096xi32, #tpu.memory_space<hbm>>
      tpu.wait_dma2 semaphore(%arg10 : memref<!tpu.dma_semaphore, #tpu.memory_space<semaphore_mem>>) src(%dma_wait3A_202 : memref<4096xi32, #tpu.memory_space<hbm>>) dst(%dma_wait3A_199 : memref<4096xi32, #tpu.memory_space<vmem>>)
      %gt3A_203 = arith.constant 0 : i32
      %gt3A_204 = arith.cmpi sgt, %scan3A_120, %gt3A_203 : i32
      %convert_element_type3A_205 = arith.extui %gt3A_204 : i1 to i32
      %cond3A_206 = arith.constant 0 : i32
      %cond3A_207 = arith.cmpi ne, %convert_element_type3A_205, %cond3A_206 : i32
      scf.if %cond3A_207 {
        %dma_wait3A_254 = arith.constant 0 : i32
        %dma_wait3A_255 = arith.constant 0 : i32
        %dma_wait3A_256 = arith.constant 0 : i32
        %dma_wait3A_257 = arith.constant 1 : i32
        %dma_wait3A_258 = arith.constant 0 : i32
        %dma_wait3A_259 = arith.constant 0 : i32
        %dma_wait3A_260 = tpu.memref_slice %arg7[%dma_wait3A_257, %dma_wait3A_258, %dma_wait3A_259] : memref<2x32x128xf32, #tpu.memory_space<vmem>> -> memref<1x32x128xf32, #tpu.memory_space<vmem>>
        %dma_wait3A_261 = tpu.memref_squeeze %dma_wait3A_260 : memref<1x32x128xf32, #tpu.memory_space<vmem>> -> memref<32x128xf32, #tpu.memory_space<vmem>>
        %dma_wait3A_262 = arith.constant 0 : i32
        %dma_wait3A_263 = arith.constant 0 : i32
        %dma_wait3A_264 = tpu.memref_slice %arg4[%dma_wait3A_254, %dma_wait3A_255, %dma_wait3A_262, %dma_wait3A_256, %dma_wait3A_263] : memref<50x8x32x8x128xf32, #tpu.memory_space<hbm>> -> memref<1x1x32x1x128xf32, #tpu.memory_space<hbm>>
        %dma_wait3A_265 = tpu.memref_squeeze %dma_wait3A_264 : memref<1x1x32x1x128xf32, #tpu.memory_space<hbm>> -> memref<32x128xf32, #tpu.memory_space<hbm>>
        %dma_wait3A_266 = arith.constant 0 : i32
        %dma_wait3A_267 = arith.constant 0 : i32
        %dma_wait3A_268 = tpu.memref_slice %arg7[%dma_wait3A_257, %dma_wait3A_266, %dma_wait3A_267] : memref<2x32x128xf32, #tpu.memory_space<vmem>> -> memref<1x32x128xf32, #tpu.memory_space<vmem>>
        %dma_wait3A_269 = tpu.memref_squeeze %dma_wait3A_268 : memref<1x32x128xf32, #tpu.memory_space<vmem>> -> memref<32x128xf32, #tpu.memory_space<vmem>>
        %dma_wait3A_270 = arith.constant 0 : i32
        %dma_wait3A_271 = arith.constant 0 : i32
        %dma_wait3A_272 = tpu.memref_slice %arg4[%dma_wait3A_254, %dma_wait3A_255, %dma_wait3A_270, %dma_wait3A_256, %dma_wait3A_271] : memref<50x8x32x8x128xf32, #tpu.memory_space<hbm>> -> memref<1x1x32x1x128xf32, #tpu.memory_space<hbm>>
        %dma_wait3A_273 = tpu.memref_squeeze %dma_wait3A_272 : memref<1x1x32x1x128xf32, #tpu.memory_space<hbm>> -> memref<32x128xf32, #tpu.memory_space<hbm>>
        tpu.wait_dma2 semaphore(%arg12 : memref<!tpu.dma_semaphore, #tpu.memory_space<semaphore_mem>>) src(%dma_wait3A_273 : memref<32x128xf32, #tpu.memory_space<hbm>>) dst(%dma_wait3A_269 : memref<32x128xf32, #tpu.memory_space<vmem>>)
        %dma_wait3A_274 = arith.constant 0 : i32
        %dma_wait3A_275 = arith.constant 0 : i32
        %dma_wait3A_276 = arith.constant 0 : i32
        %dma_wait3A_277 = arith.constant 1 : i32
        %dma_wait3A_278 = arith.constant 0 : i32
        %dma_wait3A_279 = arith.constant 0 : i32
        %dma_wait3A_280 = tpu.memref_slice %arg8[%dma_wait3A_277, %dma_wait3A_278, %dma_wait3A_279] : memref<2x32x128xf32, #tpu.memory_space<vmem>> -> memref<1x32x128xf32, #tpu.memory_space<vmem>>
        %dma_wait3A_281 = tpu.memref_squeeze %dma_wait3A_280 : memref<1x32x128xf32, #tpu.memory_space<vmem>> -> memref<32x128xf32, #tpu.memory_space<vmem>>
        %dma_wait3A_282 = arith.constant 0 : i32
        %dma_wait3A_283 = arith.constant 0 : i32
        %dma_wait3A_284 = tpu.memref_slice %arg4[%dma_wait3A_274, %dma_wait3A_275, %dma_wait3A_282, %dma_wait3A_276, %dma_wait3A_283] : memref<50x8x32x8x128xf32, #tpu.memory_space<hbm>> -> memref<1x1x32x1x128xf32, #tpu.memory_space<hbm>>
        %dma_wait3A_285 = tpu.memref_squeeze %dma_wait3A_284 : memref<1x1x32x1x128xf32, #tpu.memory_space<hbm>> -> memref<32x128xf32, #tpu.memory_space<hbm>>
        %dma_wait3A_286 = arith.constant 0 : i32
        %dma_wait3A_287 = arith.constant 0 : i32
        %dma_wait3A_288 = tpu.memref_slice %arg8[%dma_wait3A_277, %dma_wait3A_286, %dma_wait3A_287] : memref<2x32x128xf32, #tpu.memory_space<vmem>> -> memref<1x32x128xf32, #tpu.memory_space<vmem>>
        %dma_wait3A_289 = tpu.memref_squeeze %dma_wait3A_288 : memref<1x32x128xf32, #tpu.memory_space<vmem>> -> memref<32x128xf32, #tpu.memory_space<vmem>>
        %dma_wait3A_290 = arith.constant 0 : i32
        %dma_wait3A_291 = arith.constant 0 : i32
        %dma_wait3A_292 = tpu.memref_slice %arg4[%dma_wait3A_274, %dma_wait3A_275, %dma_wait3A_290, %dma_wait3A_276, %dma_wait3A_291] : memref<50x8x32x8x128xf32, #tpu.memory_space<hbm>> -> memref<1x1x32x1x128xf32, #tpu.memory_space<hbm>>
        %dma_wait3A_293 = tpu.memref_squeeze %dma_wait3A_292 : memref<1x1x32x1x128xf32, #tpu.memory_space<hbm>> -> memref<32x128xf32, #tpu.memory_space<hbm>>
        tpu.wait_dma2 semaphore(%arg14 : memref<!tpu.dma_semaphore, #tpu.memory_space<semaphore_mem>>) src(%dma_wait3A_293 : memref<32x128xf32, #tpu.memory_space<hbm>>) dst(%dma_wait3A_289 : memref<32x128xf32, #tpu.memory_space<vmem>>)
      } else {
      }
      %parallel_loop3A_208 = arith.constant 0 : i32
      %parallel_loop3A_209 = arith.constant 256 : i32
      %parallel_loop3A_210 = arith.constant 1 : i32
      %parallel_loop3A_211 = arith.constant 1 : i32
      %parallel_loop3A_212 = arith.constant 1 : i32
      scf.for %parallel_loop3A_254 = %parallel_loop3A_208 to %parallel_loop3A_209 step %parallel_loop3A_210  : i32 {
        %parallel_loop3A_255 = arith.constant 16 : i32
        %parallel_loop3A_256 = arith.muli %parallel_loop3A_254, %parallel_loop3A_255 : i32
        %parallel_loop3A_257 = arith.constant 1 : i32
        %parallel_loop3A_258 = arith.index_cast %parallel_loop3A_257 : i32 to index
        %parallel_loop3A_259 = arith.index_cast %parallel_loop3A_256 : i32 to index
        %parallel_loop3A_260 = tpu.vector_load %arg6[%parallel_loop3A_258, %parallel_loop3A_259] {strides = array<i32>} : memref<2x4096xi32, #tpu.memory_space<vmem>>, vector<16xi32>,
        %parallel_loop3A_261 = tpu.vector_load_idx %arg5[%parallel_loop3A_260] : memref<100000xf32, #tpu.memory_space<vmem>>[vector<16xi32>], vector<16xf32>,
        %parallel_loop3A_262 = vector.bitcast %parallel_loop3A_261 : vector<16xf32> to vector<16xi32>
        %parallel_loop3A_263 = arith.constant 16 : i32
        %parallel_loop3A_264 = vector.broadcast %parallel_loop3A_263 : i32 to vector<16xi32>
        %parallel_loop3A_265 = arith.shli %parallel_loop3A_262, %parallel_loop3A_264 : vector<16xi32>
        %parallel_loop3A_266 = vector.bitcast %parallel_loop3A_265 : vector<16xi32> to vector<16xf32>
        %parallel_loop3A_267 = arith.constant -65536 : i32
        %parallel_loop3A_268 = vector.broadcast %parallel_loop3A_267 : i32 to vector<16xi32>
        %parallel_loop3A_269 = arith.andi %parallel_loop3A_262, %parallel_loop3A_268 : vector<16xi32>
        %parallel_loop3A_270 = vector.bitcast %parallel_loop3A_269 : vector<16xi32> to vector<16xf32>
        %parallel_loop3A_271 = arith.constant 3 : i32
        %parallel_loop3A_272 = arith.shrui %parallel_loop3A_254, %parallel_loop3A_271 : i32
        %parallel_loop3A_273 = arith.constant 7 : i32
        %parallel_loop3A_274 = arith.andi %parallel_loop3A_254, %parallel_loop3A_273 : i32
        %parallel_loop3A_275 = arith.constant 16 : i32
        %parallel_loop3A_276 = arith.muli %parallel_loop3A_274, %parallel_loop3A_275 : i32
        %parallel_loop3A_277 = arith.constant 0 : i32
        %parallel_loop3A_278 = arith.constant 0 : i32
        %parallel_loop3A_279 = tpu.memref_slice %arg7[%parallel_loop3A_211, %parallel_loop3A_277, %parallel_loop3A_278] : memref<2x32x128xf32, #tpu.memory_space<vmem>> -> memref<1x32x128xf32, #tpu.memory_space<vmem>>
        %parallel_loop3A_280 = tpu.memref_squeeze %parallel_loop3A_279 : memref<1x32x128xf32, #tpu.memory_space<vmem>> -> memref<32x128xf32, #tpu.memory_space<vmem>>
        %parallel_loop3A_281 = arith.index_cast %parallel_loop3A_272 : i32 to index
        %parallel_loop3A_282 = arith.index_cast %parallel_loop3A_276 : i32 to index
        %parallel_loop3A_283 = tpu.vector_load %parallel_loop3A_280[%parallel_loop3A_281, %parallel_loop3A_282] {strides = array<i32>} : memref<32x128xf32, #tpu.memory_space<vmem>>, vector<16xf32>,
        tpu.vector_store %parallel_loop3A_280[%parallel_loop3A_281, %parallel_loop3A_282], %parallel_loop3A_266 {strides = array<i32>} : memref<32x128xf32, #tpu.memory_space<vmem>>, vector<16xf32>,
        %parallel_loop3A_284 = arith.constant 0 : i32
        %parallel_loop3A_285 = arith.constant 0 : i32
        %parallel_loop3A_286 = tpu.memref_slice %arg8[%parallel_loop3A_212, %parallel_loop3A_284, %parallel_loop3A_285] : memref<2x32x128xf32, #tpu.memory_space<vmem>> -> memref<1x32x128xf32, #tpu.memory_space<vmem>>
        %parallel_loop3A_287 = tpu.memref_squeeze %parallel_loop3A_286 : memref<1x32x128xf32, #tpu.memory_space<vmem>> -> memref<32x128xf32, #tpu.memory_space<vmem>>
        %parallel_loop3A_288 = arith.index_cast %parallel_loop3A_272 : i32 to index
        %parallel_loop3A_289 = arith.index_cast %parallel_loop3A_276 : i32 to index
        %parallel_loop3A_290 = tpu.vector_load %parallel_loop3A_287[%parallel_loop3A_288, %parallel_loop3A_289] {strides = array<i32>} : memref<32x128xf32, #tpu.memory_space<vmem>>, vector<16xf32>,
        tpu.vector_store %parallel_loop3A_287[%parallel_loop3A_288, %parallel_loop3A_289], %parallel_loop3A_270 {strides = array<i32>} : memref<32x128xf32, #tpu.memory_space<vmem>>, vector<16xf32>,
      } {sc.loop_unroll_factor = 8 : i64, sc.parallel_access}
      %dma_start3A_213 = arith.constant 1 : i32
      %dma_start3A_214 = arith.constant 0 : i32
      %dma_start3A_215 = arith.constant 0 : i32
      %dma_start3A_216 = tpu.memref_slice %arg7[%dma_start3A_213, %dma_start3A_214, %dma_start3A_215] : memref<2x32x128xf32, #tpu.memory_space<vmem>> -> memref<1x32x128xf32, #tpu.memory_space<vmem>>
      %dma_start3A_217 = tpu.memref_squeeze %dma_start3A_216 : memref<1x32x128xf32, #tpu.memory_space<vmem>> -> memref<32x128xf32, #tpu.memory_space<vmem>>
      %dma_start3A_218 = arith.constant 0 : i32
      %dma_start3A_219 = arith.constant 0 : i32
      %dma_start3A_220 = tpu.memref_slice %arg4[%add3A_188, %shift_right_logical3A_3, %dma_start3A_218, %and3A_4, %dma_start3A_219] : memref<50x8x32x8x128xf32, #tpu.memory_space<hbm>> -> memref<1x1x32x1x128xf32, #tpu.memory_space<hbm>>
      %dma_start3A_221 = tpu.memref_squeeze %dma_start3A_220 : memref<1x1x32x1x128xf32, #tpu.memory_space<hbm>> -> memref<32x128xf32, #tpu.memory_space<hbm>>
      %dma_start3A_222 = arith.constant 0 : i32
      %dma_start3A_223 = arith.constant 0 : i32
      %dma_start3A_224 = tpu.memref_slice %arg4[%add3A_188, %shift_right_logical3A_3, %dma_start3A_222, %and3A_4, %dma_start3A_223] : memref<50x8x32x8x128xf32, #tpu.memory_space<hbm>> -> memref<1x1x32x1x128xf32, #tpu.memory_space<hbm>>
      %dma_start3A_225 = tpu.memref_squeeze %dma_start3A_224 : memref<1x1x32x1x128xf32, #tpu.memory_space<hbm>> -> memref<32x128xf32, #tpu.memory_space<hbm>>
      %dma_start3A_226 = arith.constant 0 : i32
      %dma_start3A_227 = arith.constant 0 : i32
      %dma_start3A_228 = tpu.memref_slice %arg7[%dma_start3A_213, %dma_start3A_226, %dma_start3A_227] : memref<2x32x128xf32, #tpu.memory_space<vmem>> -> memref<1x32x128xf32, #tpu.memory_space<vmem>>
      %dma_start3A_229 = tpu.memref_squeeze %dma_start3A_228 : memref<1x32x128xf32, #tpu.memory_space<vmem>> -> memref<32x128xf32, #tpu.memory_space<vmem>>
      tpu.enqueue_dma source(%dma_start3A_229 : memref<32x128xf32, #tpu.memory_space<vmem>>) target(%dma_start3A_225 : memref<32x128xf32, #tpu.memory_space<hbm>>) target_semaphore(%arg12 : memref<!tpu.dma_semaphore, #tpu.memory_space<semaphore_mem>>)
      %dma_start3A_230 = arith.constant 1 : i32
      %dma_start3A_231 = arith.constant 0 : i32
      %dma_start3A_232 = arith.constant 0 : i32
      %dma_start3A_233 = tpu.memref_slice %arg8[%dma_start3A_230, %dma_start3A_231, %dma_start3A_232] : memref<2x32x128xf32, #tpu.memory_space<vmem>> -> memref<1x32x128xf32, #tpu.memory_space<vmem>>
      %dma_start3A_234 = tpu.memref_squeeze %dma_start3A_233 : memref<1x32x128xf32, #tpu.memory_space<vmem>> -> memref<32x128xf32, #tpu.memory_space<vmem>>
      %dma_start3A_235 = arith.constant 0 : i32
      %dma_start3A_236 = arith.constant 0 : i32
      %dma_start3A_237 = tpu.memref_slice %arg4[%add3A_188, %shift_right_logical3A_6, %dma_start3A_235, %and3A_8, %dma_start3A_236] : memref<50x8x32x8x128xf32, #tpu.memory_space<hbm>> -> memref<1x1x32x1x128xf32, #tpu.memory_space<hbm>>
      %dma_start3A_238 = tpu.memref_squeeze %dma_start3A_237 : memref<1x1x32x1x128xf32, #tpu.memory_space<hbm>> -> memref<32x128xf32, #tpu.memory_space<hbm>>
      %dma_start3A_239 = arith.constant 0 : i32
      %dma_start3A_240 = arith.constant 0 : i32
      %dma_start3A_241 = tpu.memref_slice %arg4[%add3A_188, %shift_right_logical3A_6, %dma_start3A_239, %and3A_8, %dma_start3A_240] : memref<50x8x32x8x128xf32, #tpu.memory_space<hbm>> -> memref<1x1x32x1x128xf32, #tpu.memory_space<hbm>>
      %dma_start3A_242 = tpu.memref_squeeze %dma_start3A_241 : memref<1x1x32x1x128xf32, #tpu.memory_space<hbm>> -> memref<32x128xf32, #tpu.memory_space<hbm>>
      %dma_start3A_243 = arith.constant 0 : i32
      %dma_start3A_244 = arith.constant 0 : i32
      %dma_start3A_245 = tpu.memref_slice %arg8[%dma_start3A_230, %dma_start3A_243, %dma_start3A_244] : memref<2x32x128xf32, #tpu.memory_space<vmem>> -> memref<1x32x128xf32, #tpu.memory_space<vmem>>
      %dma_start3A_246 = tpu.memref_squeeze %dma_start3A_245 : memref<1x32x128xf32, #tpu.memory_space<vmem>> -> memref<32x128xf32, #tpu.memory_space<vmem>>
      tpu.enqueue_dma source(%dma_start3A_246 : memref<32x128xf32, #tpu.memory_space<vmem>>) target(%dma_start3A_242 : memref<32x128xf32, #tpu.memory_space<hbm>>) target_semaphore(%arg14 : memref<!tpu.dma_semaphore, #tpu.memory_space<semaphore_mem>>)
      %add3A_247 = arith.constant 2 : i32
      %add3A_248 = arith.addi %add3A_188, %add3A_247 : i32
      %lt3A_249 = arith.constant 50 : i32
      %lt3A_250 = arith.cmpi slt, %add3A_248, %lt3A_249 : i32
      %convert_element_type3A_251 = arith.extui %lt3A_250 : i1 to i32
      %cond3A_252 = arith.constant 0 : i32
      %cond3A_253 = arith.cmpi ne, %convert_element_type3A_251, %cond3A_252 : i32
      scf.if %cond3A_253 {
        %add3A_254 = arith.constant 2 : i32
        %add3A_255 = arith.addi %add3A_188, %add3A_254 : i32
        %dma_start3A_256 = arith.constant 1 : i32
        %dma_start3A_257 = arith.constant 0 : i32
        %dma_start3A_258 = tpu.memref_slice %arg6[%dma_start3A_256, %dma_start3A_257] : memref<2x4096xi32, #tpu.memory_space<vmem>> -> memref<1x4096xi32, #tpu.memory_space<vmem>>
        %dma_start3A_259 = tpu.memref_squeeze %dma_start3A_258 : memref<1x4096xi32, #tpu.memory_space<vmem>> -> memref<4096xi32, #tpu.memory_space<vmem>>
        %dma_start3A_260 = arith.constant 0 : i32
        %dma_start3A_261 = tpu.memref_slice %arg3[%add3A_255, %dma_start3A_260] : memref<50x4096xi32, #tpu.memory_space<hbm>> -> memref<1x4096xi32, #tpu.memory_space<hbm>>
        %dma_start3A_262 = tpu.memref_squeeze %dma_start3A_261 : memref<1x4096xi32, #tpu.memory_space<hbm>> -> memref<4096xi32, #tpu.memory_space<hbm>>
        %dma_start3A_263 = arith.constant 0 : i32
        %dma_start3A_264 = tpu.memref_slice %arg6[%dma_start3A_256, %dma_start3A_263] : memref<2x4096xi32, #tpu.memory_space<vmem>> -> memref<1x4096xi32, #tpu.memory_space<vmem>>
        %dma_start3A_265 = tpu.memref_squeeze %dma_start3A_264 : memref<1x4096xi32, #tpu.memory_space<vmem>> -> memref<4096xi32, #tpu.memory_space<vmem>>
        %dma_start3A_266 = arith.constant 0 : i32
        %dma_start3A_267 = tpu.memref_slice %arg3[%add3A_255, %dma_start3A_266] : memref<50x4096xi32, #tpu.memory_space<hbm>> -> memref<1x4096xi32, #tpu.memory_space<hbm>>
        %dma_start3A_268 = tpu.memref_squeeze %dma_start3A_267 : memref<1x4096xi32, #tpu.memory_space<hbm>> -> memref<4096xi32, #tpu.memory_space<hbm>>
        tpu.enqueue_dma source(%dma_start3A_268 : memref<4096xi32, #tpu.memory_space<hbm>>) target(%dma_start3A_265 : memref<4096xi32, #tpu.memory_space<vmem>>) target_semaphore(%arg10 : memref<!tpu.dma_semaphore, #tpu.memory_space<semaphore_mem>>)
      } else {
      }
    }
    %scan3A_40 = arith.constant 25 : i32
    %dma_wait3A = arith.constant 0 : i32
    %dma_wait3A_41 = arith.constant 0 : i32
    %dma_wait3A_42 = arith.constant 0 : i32
    %dma_wait3A_43 = arith.constant 0 : i32
    %dma_wait3A_44 = arith.constant 0 : i32
    %dma_wait3A_45 = arith.constant 0 : i32
    %dma_wait3A_46 = tpu.memref_slice %arg7[%dma_wait3A_43, %dma_wait3A_44, %dma_wait3A_45] : memref<2x32x128xf32, #tpu.memory_space<vmem>> -> memref<1x32x128xf32, #tpu.memory_space<vmem>>
    %dma_wait3A_47 = tpu.memref_squeeze %dma_wait3A_46 : memref<1x32x128xf32, #tpu.memory_space<vmem>> -> memref<32x128xf32, #tpu.memory_space<vmem>>
    %dma_wait3A_48 = arith.constant 0 : i32
    %dma_wait3A_49 = arith.constant 0 : i32
    %dma_wait3A_50 = tpu.memref_slice %arg4[%dma_wait3A, %dma_wait3A_41, %dma_wait3A_48, %dma_wait3A_42, %dma_wait3A_49] : memref<50x8x32x8x128xf32, #tpu.memory_space<hbm>> -> memref<1x1x32x1x128xf32, #tpu.memory_space<hbm>>
    %dma_wait3A_51 = tpu.memref_squeeze %dma_wait3A_50 : memref<1x1x32x1x128xf32, #tpu.memory_space<hbm>> -> memref<32x128xf32, #tpu.memory_space<hbm>>
    %dma_wait3A_52 = arith.constant 0 : i32
    %dma_wait3A_53 = arith.constant 0 : i32
    %dma_wait3A_54 = tpu.memref_slice %arg7[%dma_wait3A_43, %dma_wait3A_52, %dma_wait3A_53] : memref<2x32x128xf32, #tpu.memory_space<vmem>> -> memref<1x32x128xf32, #tpu.memory_space<vmem>>
    %dma_wait3A_55 = tpu.memref_squeeze %dma_wait3A_54 : memref<1x32x128xf32, #tpu.memory_space<vmem>> -> memref<32x128xf32, #tpu.memory_space<vmem>>
    %dma_wait3A_56 = arith.constant 0 : i32
    %dma_wait3A_57 = arith.constant 0 : i32
    %dma_wait3A_58 = tpu.memref_slice %arg4[%dma_wait3A, %dma_wait3A_41, %dma_wait3A_56, %dma_wait3A_42, %dma_wait3A_57] : memref<50x8x32x8x128xf32, #tpu.memory_space<hbm>> -> memref<1x1x32x1x128xf32, #tpu.memory_space<hbm>>
    %dma_wait3A_59 = tpu.memref_squeeze %dma_wait3A_58 : memref<1x1x32x1x128xf32, #tpu.memory_space<hbm>> -> memref<32x128xf32, #tpu.memory_space<hbm>>
    tpu.wait_dma2 semaphore(%arg11 : memref<!tpu.dma_semaphore, #tpu.memory_space<semaphore_mem>>) src(%dma_wait3A_59 : memref<32x128xf32, #tpu.memory_space<hbm>>) dst(%dma_wait3A_55 : memref<32x128xf32, #tpu.memory_space<vmem>>)
    %dma_wait3A_60 = arith.constant 0 : i32
    %dma_wait3A_61 = arith.constant 0 : i32
    %dma_wait3A_62 = arith.constant 0 : i32
    %dma_wait3A_63 = arith.constant 0 : i32
    %dma_wait3A_64 = arith.constant 0 : i32
    %dma_wait3A_65 = arith.constant 0 : i32
    %dma_wait3A_66 = tpu.memref_slice %arg8[%dma_wait3A_63, %dma_wait3A_64, %dma_wait3A_65] : memref<2x32x128xf32, #tpu.memory_space<vmem>> -> memref<1x32x128xf32, #tpu.memory_space<vmem>>
    %dma_wait3A_67 = tpu.memref_squeeze %dma_wait3A_66 : memref<1x32x128xf32, #tpu.memory_space<vmem>> -> memref<32x128xf32, #tpu.memory_space<vmem>>
    %dma_wait3A_68 = arith.constant 0 : i32
    %dma_wait3A_69 = arith.constant 0 : i32
    %dma_wait3A_70 = tpu.memref_slice %arg4[%dma_wait3A_60, %dma_wait3A_61, %dma_wait3A_68, %dma_wait3A_62, %dma_wait3A_69] : memref<50x8x32x8x128xf32, #tpu.memory_space<hbm>> -> memref<1x1x32x1x128xf32, #tpu.memory_space<hbm>>
    %dma_wait3A_71 = tpu.memref_squeeze %dma_wait3A_70 : memref<1x1x32x1x128xf32, #tpu.memory_space<hbm>> -> memref<32x128xf32, #tpu.memory_space<hbm>>
    %dma_wait3A_72 = arith.constant 0 : i32
    %dma_wait3A_73 = arith.constant 0 : i32
    %dma_wait3A_74 = tpu.memref_slice %arg8[%dma_wait3A_63, %dma_wait3A_72, %dma_wait3A_73] : memref<2x32x128xf32, #tpu.memory_space<vmem>> -> memref<1x32x128xf32, #tpu.memory_space<vmem>>
    %dma_wait3A_75 = tpu.memref_squeeze %dma_wait3A_74 : memref<1x32x128xf32, #tpu.memory_space<vmem>> -> memref<32x128xf32, #tpu.memory_space<vmem>>
    %dma_wait3A_76 = arith.constant 0 : i32
    %dma_wait3A_77 = arith.constant 0 : i32
    %dma_wait3A_78 = tpu.memref_slice %arg4[%dma_wait3A_60, %dma_wait3A_61, %dma_wait3A_76, %dma_wait3A_62, %dma_wait3A_77] : memref<50x8x32x8x128xf32, #tpu.memory_space<hbm>> -> memref<1x1x32x1x128xf32, #tpu.memory_space<hbm>>
    %dma_wait3A_79 = tpu.memref_squeeze %dma_wait3A_78 : memref<1x1x32x1x128xf32, #tpu.memory_space<hbm>> -> memref<32x128xf32, #tpu.memory_space<hbm>>
    tpu.wait_dma2 semaphore(%arg13 : memref<!tpu.dma_semaphore, #tpu.memory_space<semaphore_mem>>) src(%dma_wait3A_79 : memref<32x128xf32, #tpu.memory_space<hbm>>) dst(%dma_wait3A_75 : memref<32x128xf32, #tpu.memory_space<vmem>>)
    %dma_wait3A_80 = arith.constant 0 : i32
    %dma_wait3A_81 = arith.constant 0 : i32
    %dma_wait3A_82 = arith.constant 0 : i32
    %dma_wait3A_83 = arith.constant 1 : i32
    %dma_wait3A_84 = arith.constant 0 : i32
    %dma_wait3A_85 = arith.constant 0 : i32
    %dma_wait3A_86 = tpu.memref_slice %arg7[%dma_wait3A_83, %dma_wait3A_84, %dma_wait3A_85] : memref<2x32x128xf32, #tpu.memory_space<vmem>> -> memref<1x32x128xf32, #tpu.memory_space<vmem>>
    %dma_wait3A_87 = tpu.memref_squeeze %dma_wait3A_86 : memref<1x32x128xf32, #tpu.memory_space<vmem>> -> memref<32x128xf32, #tpu.memory_space<vmem>>
    %dma_wait3A_88 = arith.constant 0 : i32
    %dma_wait3A_89 = arith.constant 0 : i32
    %dma_wait3A_90 = tpu.memref_slice %arg4[%dma_wait3A_80, %dma_wait3A_81, %dma_wait3A_88, %dma_wait3A_82, %dma_wait3A_89] : memref<50x8x32x8x128xf32, #tpu.memory_space<hbm>> -> memref<1x1x32x1x128xf32, #tpu.memory_space<hbm>>
    %dma_wait3A_91 = tpu.memref_squeeze %dma_wait3A_90 : memref<1x1x32x1x128xf32, #tpu.memory_space<hbm>> -> memref<32x128xf32, #tpu.memory_space<hbm>>
    %dma_wait3A_92 = arith.constant 0 : i32
    %dma_wait3A_93 = arith.constant 0 : i32
    %dma_wait3A_94 = tpu.memref_slice %arg7[%dma_wait3A_83, %dma_wait3A_92, %dma_wait3A_93] : memref<2x32x128xf32, #tpu.memory_space<vmem>> -> memref<1x32x128xf32, #tpu.memory_space<vmem>>
    %dma_wait3A_95 = tpu.memref_squeeze %dma_wait3A_94 : memref<1x32x128xf32, #tpu.memory_space<vmem>> -> memref<32x128xf32, #tpu.memory_space<vmem>>
    %dma_wait3A_96 = arith.constant 0 : i32
    %dma_wait3A_97 = arith.constant 0 : i32
    %dma_wait3A_98 = tpu.memref_slice %arg4[%dma_wait3A_80, %dma_wait3A_81, %dma_wait3A_96, %dma_wait3A_82, %dma_wait3A_97] : memref<50x8x32x8x128xf32, #tpu.memory_space<hbm>> -> memref<1x1x32x1x128xf32, #tpu.memory_space<hbm>>
    %dma_wait3A_99 = tpu.memref_squeeze %dma_wait3A_98 : memref<1x1x32x1x128xf32, #tpu.memory_space<hbm>> -> memref<32x128xf32, #tpu.memory_space<hbm>>
    tpu.wait_dma2 semaphore(%arg12 : memref<!tpu.dma_semaphore, #tpu.memory_space<semaphore_mem>>) src(%dma_wait3A_99 : memref<32x128xf32, #tpu.memory_space<hbm>>) dst(%dma_wait3A_95 : memref<32x128xf32, #tpu.memory_space<vmem>>)
    %dma_wait3A_100 = arith.constant 0 : i32
    %dma_wait3A_101 = arith.constant 0 : i32
    %dma_wait3A_102 = arith.constant 0 : i32
    %dma_wait3A_103 = arith.constant 1 : i32
    %dma_wait3A_104 = arith.constant 0 : i32
    %dma_wait3A_105 = arith.constant 0 : i32
    %dma_wait3A_106 = tpu.memref_slice %arg8[%dma_wait3A_103, %dma_wait3A_104, %dma_wait3A_105] : memref<2x32x128xf32, #tpu.memory_space<vmem>> -> memref<1x32x128xf32, #tpu.memory_space<vmem>>
    %dma_wait3A_107 = tpu.memref_squeeze %dma_wait3A_106 : memref<1x32x128xf32, #tpu.memory_space<vmem>> -> memref<32x128xf32, #tpu.memory_space<vmem>>
    %dma_wait3A_108 = arith.constant 0 : i32
    %dma_wait3A_109 = arith.constant 0 : i32
    %dma_wait3A_110 = tpu.memref_slice %arg4[%dma_wait3A_100, %dma_wait3A_101, %dma_wait3A_108, %dma_wait3A_102, %dma_wait3A_109] : memref<50x8x32x8x128xf32, #tpu.memory_space<hbm>> -> memref<1x1x32x1x128xf32, #tpu.memory_space<hbm>>
    %dma_wait3A_111 = tpu.memref_squeeze %dma_wait3A_110 : memref<1x1x32x1x128xf32, #tpu.memory_space<hbm>> -> memref<32x128xf32, #tpu.memory_space<hbm>>
    %dma_wait3A_112 = arith.constant 0 : i32
    %dma_wait3A_113 = arith.constant 0 : i32
    %dma_wait3A_114 = tpu.memref_slice %arg8[%dma_wait3A_103, %dma_wait3A_112, %dma_wait3A_113] : memref<2x32x128xf32, #tpu.memory_space<vmem>> -> memref<1x32x128xf32, #tpu.memory_space<vmem>>
    %dma_wait3A_115 = tpu.memref_squeeze %dma_wait3A_114 : memref<1x32x128xf32, #tpu.memory_space<vmem>> -> memref<32x128xf32, #tpu.memory_space<vmem>>
    %dma_wait3A_116 = arith.constant 0 : i32
    %dma_wait3A_117 = arith.constant 0 : i32
    %dma_wait3A_118 = tpu.memref_slice %arg4[%dma_wait3A_100, %dma_wait3A_101, %dma_wait3A_116, %dma_wait3A_102, %dma_wait3A_117] : memref<50x8x32x8x128xf32, #tpu.memory_space<hbm>> -> memref<1x1x32x1x128xf32, #tpu.memory_space<hbm>>
    %dma_wait3A_119 = tpu.memref_squeeze %dma_wait3A_118 : memref<1x1x32x1x128xf32, #tpu.memory_space<hbm>> -> memref<32x128xf32, #tpu.memory_space<hbm>>
    tpu.wait_dma2 semaphore(%arg14 : memref<!tpu.dma_semaphore, #tpu.memory_space<semaphore_mem>>) src(%dma_wait3A_119 : memref<32x128xf32, #tpu.memory_space<hbm>>) dst(%dma_wait3A_115 : memref<32x128xf32, #tpu.memory_space<vmem>>)
    return
  }
}

</mosaic_0001>

<sc_bundles>
// kernel: _embed.3.cloned.1.call-start
scs
__scs_entry_jumppad:
0x0: {  	(pc) =	sbr.rel $0x88, $3  }
0x1: {  	(tag) =	ssettag $0x0;
	lr =	simm.s32 $0x1  }
0x2: {  	[smem:$0x3F9F] =	sst lr;
	_ =	strace $0xD0000000  }
0x3: {  	_ = 	snop  }
0x4: {  	_ = 	snop  }
0x5: {  	_ = 	snop  }
0x6: {  	_ = 	snop  }
0x7: {  	_ = 	snop  }
__scs_overlays_trampoline_lowered:
0x8: {  	[smem:$0x3FAE] =	sst s0  }
0x9: {  	[smem:$0x3FAF] =	sst s1  }
0xa: {  	[smem:$0x3FB0] =	sst s2  }
0xb: {  	[smem:$0x3FB1] =	sst s3  }
0xc: {  	[smem:$0x3FB2] =	sst s4  }
0xd: {  	[smem:$0x3FB3] =	sst s5  }
0xe: {  	[smem:$0x3FB4] =	sst s6  }
0xf: {  	[smem:$0x3FB5] =	sst s7  }
0x10: {  	[smem:$0x3FB6] =	sst s8  }
0x11: {  	[smem:$0x3FB7] =	sst s9;
	s0 =	simm.s32 @!p0 $0x0  }
0x12: {  	s1 =	sld [smem:$0x3F9D];
	s0 =	simm.s32 @p0 $0x1  }
0x13: {  	[smem:$0x3FB8] =	sst s0;
	s0 =	simm.s32 @!p1 $0x0  }
0x14: {  	s2 =	sld [smem:$0x3F9C];
	s0 =	simm.s32 @p1 $0x1  }
0x15: {  	[smem:$0x3FB9] =	sst s0;
	s0 =	simm.s32 @!p2 $0x0  }
0x16: {  	s3 =	sld [smem:$0x3FDB];
	s0 =	simm.s32 @p2 $0x1  }
0x17: {  	s4 =	simm.s32 $0x1BF5;
	[smem:$0x3FBB] =	sst s0  }
0x18: {  	s0 =	sld [smem:$0x3F9E];
	_ =	swait.ge [sflag:s4], $0x0  }
0x19: {  	s7 =	sld [smem:$0x3F9F]  }
0x1a: {  	s8 =	sadd.s32 $0xFFFFE003, lr  }
0x1b: {  	s9 =	sadd.s32 $0xFFFFFEF7, lr;
	s5 =	simm.s32 $0xFFFFFFFF;
	p2 =	slt.u32 s8, $0xFFFFF086  }
0x1c: {  	p1 =	slt.u32 s9, $0xF7A;
	s5 =	simm.s32 @!p2 $0x0  }
0x1d: {  	s5 =	simm.s32 @p1 $0x1;
	p0 =	seq.s32 s7, s2  }
0x1e: {  	s7 =	smul.u32 @!p0 $0xF7A, s2;
	p2 =	seq.s32 @!p0 s5, $0x0  }
0x1f: {  	s9 =	smul.u32 $0xF7A, s1;
	s8 =	simm.s32 @!p0 $0x1BF5;
	p2 =	por !p2, p0  }
0x20: {  	[sflag:s8] =	ssyncset.s32 @!p0 $0xFFFFF086;
	s6 =	sadd.s32 @!p0 s3, s7;
	s7 =	simm.s32 @!p0 $0x108  }
0x21: {  	s3 =	sadd.s32 s3, s9;
	s6 =	sadd.s32 @!p0 $0x88, s6;
	s7 =	simm.s32 @p2 $0x1082  }
0x22: {  	[simem:s7], [sflag:s8] =	dma.local @!p0 [hbm:s6], $0xF7A  }
0x23: {  	s9 =	sor.u32 $0xD0000000, s2;
	s6 =	simm.s32 $0x108;
	_ =	swait.ge @!p0 [sflag:s8], $0x0  }
0x24: {  	s3 =	sadd.s32 $0x88, s3;
	s6 =	simm.s32 @!p1 $0x1082;
	[sflag:s4] =	ssyncset.s32 $0xFFFFF086  }
0x25: {  	[simem:s6], [sflag:s4] =	dma.local [hbm:s3], $0xF7A  }
0x26: {  	[smem:$0x3F9F] =	sst s1;
	(tag) =	ssettag s2;
	_ =	strace s9  }
0x27: {  	s1 =	sld [smem:$0x3FAF]  }
0x28: {  	s2 =	sld [smem:$0x3FB0]  }
0x29: {  	s4 =	sld [smem:$0x3FB2]  }
0x2a: {  	p0 =	seq.s32 s5, $0x0;
	s5 =	sld [smem:$0x3FB3]  }
0x2b: {  	s6 =	sld [smem:$0x3FB4]  }
0x2c: {  	s7 =	sld [smem:$0x3FB5]  }
0x2d: {  	s3 =	simm.s32 $0x108;
	s8 =	sld [smem:$0x3FB6]  }
0x2e: {  	s3 =	simm.s32 @!p0 $0x1082;
	s9 =	sld [smem:$0x3FB7]  }
0x2f: {  	lr =	sadd.s32 s0, s3;
	s0 =	sld [smem:$0x3FAE]  }
0x30: {  	s3 =	sld [smem:$0x3FB1]  }
0x31: {  	[smem:$0x3FBA] =	sst s10  }
0x32: {  	s10 =	sld [smem:$0x3FB8];
	_ =	sdelay $0x3  }
0x33: {  	p0 =	seq.s32 s10, $0x1;
	s10 =	sld [smem:$0x3FBA];
	_ =	sdelay $0x3  }
0x34: {  	[smem:$0x3FBA] =	sst s10  }
0x35: {  	s10 =	sld [smem:$0x3FB9];
	_ =	sdelay $0x3  }
0x36: {  	p1 =	seq.s32 s10, $0x1;
	s10 =	sld [smem:$0x3FBA];
	_ =	sdelay $0x3  }
0x37: {  	[smem:$0x3FBA] =	sst s10  }
0x38: {  	s10 =	sld [smem:$0x3FBB]  }
0x39: {  	_ = 	snop;
	(pc) =	sbr.ind lr, $3  }
0x3a: {  	_ = 	snop  }
0x3b: {  	_ = 	snop  }
0x3c: {  	p2 =	seq.s32 s10, $0x1;
	s10 =	sld [smem:$0x3FBA]  }
0x3d: {  	_ =	shalt  }
0x3e: {  	_ =	shalt  }
0x3f: {  	_ =	shalt  }
0x40: {  	_ =	shalt  }
0x41: {  	_ =	shalt  }
0x42: {  	_ =	shalt  }
0x43: {  	_ =	shalt  }
0x44: {  	_ =	shalt  }
0x45: {  	_ =	shalt  }
0x46: {  	_ =	shalt  }
0x47: {  	_ =	shalt  }
0x48: {  	_ =	shalt  }
0x49: {  	_ =	shalt  }
0x4a: {  	_ =	shalt  }
0x4b: {  	_ =	shalt  }
0x4c: {  	_ =	shalt  }
0x4d: {  	_ =	shalt  }
0x4e: {  	_ =	shalt  }
0x4f: {  	_ =	shalt  }
0x50: {  	_ =	shalt  }
0x51: {  	_ =	shalt  }
0x52: {  	_ =	shalt  }
0x53: {  	_ =	shalt  }
0x54: {  	_ =	shalt  }
0x55: {  	_ =	shalt  }
0x56: {  	_ =	shalt  }
0x57: {  	_ =	shalt  }
0x58: {  	_ =	shalt  }
0x59: {  	_ =	shalt  }
0x5a: {  	_ =	shalt  }
0x5b: {  	_ =	shalt  }
0x5c: {  	_ =	shalt  }
0x5d: {  	_ =	shalt  }
0x5e: {  	_ =	shalt  }
0x5f: {  	_ =	shalt  }
0x60: {  	_ =	shalt  }
0x61: {  	_ =	shalt  }
0x62: {  	_ =	shalt  }
0x63: {  	_ =	shalt  }
0x64: {  	_ =	shalt  }
0x65: {  	_ =	shalt  }
0x66: {  	_ =	shalt  }
0x67: {  	_ =	shalt  }
0x68: {  	_ =	shalt  }
0x69: {  	_ =	shalt  }
0x6a: {  	_ =	shalt  }
0x6b: {  	_ =	shalt  }
0x6c: {  	_ =	shalt  }
0x6d: {  	_ =	shalt  }
0x6e: {  	_ =	shalt  }
0x6f: {  	_ =	shalt  }
0x70: {  	_ =	shalt  }
0x71: {  	_ =	shalt  }
0x72: {  	_ =	shalt  }
0x73: {  	_ =	shalt  }
0x74: {  	_ =	shalt  }
0x75: {  	_ =	shalt  }
0x76: {  	_ =	shalt  }
0x77: {  	_ =	shalt  }
0x78: {  	_ =	shalt  }
0x79: {  	_ =	shalt  }
0x7a: {  	_ =	shalt  }
0x7b: {  	_ =	shalt  }
0x7c: {  	_ =	shalt  }
0x7d: {  	_ =	shalt  }
0x7e: {  	_ =	shalt  }
0x7f: {  	_ =	shalt  }
0x80: {  	_ =	shalt  }
0x81: {  	_ =	shalt  }
0x82: {  	_ =	shalt  }
0x83: {  	_ =	shalt  }
0x84: {  	_ =	shalt  }
0x85: {  	_ =	shalt  }
0x86: {  	_ =	shalt  }
0x87: {  	_ =	shalt  }
.Lfunc_end0:
.L_simem_size_0:
called_computation_lowered:
.L_overlay_start_0:
0x88: {  	s2 =	sld [smem:$0x3FD9]  }
0x89: {  	s3 =	sld [smem:$0x3FFE];
	_ =	sdelay $0x1  }
0x8a: {  	s1 =	srdreg.scid  }
0x8b: {  	s0 =	sand.u32 $0x1, s1  }
0x8c: {  	s17 =	sshll.u32 s0, $0xA;
	s2 =	sadd.s32 s3, s2  }
0x8d: {  	s2 =	sadd.s32 s2, s17  }
0x8e: {  	[smem:$0x3FC6] =	sst s2  }
0x8f: {  	_ = 	snop  }
0x90: {  	s2 =	sld [smem:$0x3FD0];
	(tm) =	ssettm $0x1  }
0x91: {  	s18 =	sld [smem:$0x3FFB];
	_ =	sdelay $0x3  }
0x92: {  	_ =	strace s18  }
0x93: {  	s3 =	sld [smem:$0x3FFC];
	_ =	sdelay $0x3  }
0x94: {  	_ =	strace s3  }
0x95: {  	s3 =	sld [smem:$0x3FFD];
	_ =	sdelay $0x3  }
0x96: {  	_ =	strace s3  }
0x97: {  	_ =	strace $0x8FFFFFFF  }
0x98: {  	s19 =	sld [smem:$0x3FDB];
	_ =	sdelay $0x1  }
0x99: {  	s4 =	simm.s32 $_scs_section_size  }
0x9a: {  	s5 =	simm.s32 $_size__tile_overlayer_lowered;
	s6 =	simm.s32 $_tile_overlayer_lowered  }
0x9b: {  	s22 =	simm.s32 $0x1BFF;
	s21 =	sshll.u32 s6, $0x1;
	s3 =	sadd.s32 s4, s19  }
0x9c: {  	s7 =	simm.s32 $0x0;
	s20 =	sshll.u32 s5, $0x1;
	s5 =	sadd.s32 s21, s3  }
0x9d: {  	[timem:s7], [sflag:s22] =	dma.local [hbm:s5], s20  }
0x9e: {  	_ =	swait.ge [sflag:s22], s20  }
0x9f: {  	s4 =	ssub.s32 $0x0, s20;
	[sflag:s22] =	ssyncset.done $0x0  }
0xa0: {  	[sflag:s22] =	ssyncadd.s32 s4;
	_ =	sdelay $0x1  }
0xa1: {  	s23 =	simm.s32 $0x1B8B  }
0xa2: {  	_ =	swait.ge [sflag:s23], $0x1  }
0xa3: {  	[sflag:s23] =	ssyncset.done $0x0  }
0xa4: {  	s25 =	simm.s32 $0x1B8E;
	s24 =	sld [smem:$0x3FFE];
	[sflag:s23] =	ssyncadd.s32 $0xFFFFFFFF  }
0xa5: {  	s26 =	simm.s32 $execute0_lowered;
	[smem:$0x3FD2] =	sst s25  }
0xa6: {  	s5 =	sshll.u32 s26, $0x1;
	_ =	strace $0x80000046;
	[dreg:$0x1] =	wrdreg $0xFFFFFFFF  }
0xa7: {  	s28 =	simm.s32 $_size_execute0_lowered;
	s3 =	sadd.s32 s3, s5;
	[dreg:$0x0] =	wrdreg $0x0  }
0xa8: {  	s5 =	sshll.u32 s28, $0x1;
	[dreg:$0x2] =	wrdreg s3  }
0xa9: {  	[dreg:$0x3] =	wrdreg s5  }
0xaa: {  	[dreg:$0x4] =	wrdreg $0xC0  }
0xab: {  	_ =	task [dreg:s7], $0x5FFFF  }
0xac: {  	[dreg:$0x1] =	wrdreg $0xFFFFFFFF  }
0xad: {  	[dreg:$0x0] =	wrdreg $0x60  }
0xae: {  	[dreg:$0x2] =	wrdreg s24  }
0xaf: {  	[dreg:$0x3] =	wrdreg s2  }
0xb0: {  	[dreg:$0x4] =	wrdreg $0x9  }
0xb1: {  	_ =	task.clear_ibuf [dreg:s7], $0x5FFFF;
	_ =	strace $0x90000046  }
0xb2: {  	s29 =	simm.s32 $0x9;
	_ =	strace $0x80000048  }
0xb3: {  	_ =	swait.ge [sflag:s29], $0x1  }
0xb4: {  	[sflag:s29] =	ssyncadd.s32 $0xFFFFFFFF  }
0xb5: {  	_ =	strace $0x90000048  }
0xb6: {  	_ =	sfence  }
0xb7: {  	s30 =	sld [smem:$0x0];
	_ =	sdelay $0x2  }
0xb8: {  	s31 =	sshll.u32 s1, $0xD;
	s1 =	sshrl.u32 s1, $0x2  }
0xb9: {  	s3 =	sand.u32 $0x4000, s31;
	s1 =	sadd.s32 s1, s30  }
0xba: {  	s0 =	sor.u32 s3, s0;
	s1 =	sshll.u32 s1, $0x11  }
0xbb: {  	s0 =	sor.u32 s1, s0  }
0xbc: {  	s0 =	sadd.s32 $0x8F2B, s0  }
0xbd: {  	[sflag:s0] =	ssyncadd.remote.s32 $0x1  }
0xbe: {  	_ =	sfence.sel $0xFFFF  }
0xbf: {  	[dreg:$0x0] =	wrdreg $0xFFFFFFFF;
	(pc) =	sbr.abs _section_cstart, $3  }
0xc0: {  	[dreg:$0x1] =	wrdreg $0xFFFFFFFF  }
0xc1: {  	_ =	task.clear_ibuf [dreg:s7], $0x2FFFF;
	_ =	strace $0x9FFFFFFF  }
0xc2: {  	(tm) =	ssettm $0x7FFFFFFF  }
0xc3: {  	_ =	shalt  }
tec
execute0_lowered:
.L_overlay_start_1:
0x0: {  	(tag) =	ssettag $0x1  }
0x1: {  	s0 =	srdreg.scid  }
0x2: {  	s6 =	stileid.u32;
	s1 =	rddreg [dreg:$0x0]  }
0x3: {  	s2 =	rddreg [dreg:$0x1];
	s12 =	simm.s32 $0x7;
	s13 =	simm.s32 $0x186A0  }
0x4: {  	s14 =	simm.s32 $0x196A0;
	s15 =	simm.s32 $0x1;
	s16 =	simm.s32 $0x80  }
0x5: {  	s17 =	simm.s32 $0x400;
	s18 =	simm.s32 $0x1A6A0;
	s19 =	simm.s32 $0x1C6A0  }
0x6: {  	s20 =	simm.s32 $0x2;
	s21 =	simm.s32 $0x4;
	s22 =	simm.s32 $0x6  }
0x7: {  	s23 =	simm.s32 $0x1B6A0;
	s24 =	simm.s32 $0x1D6A0;
	s25 =	simm.s32 $0x3  }
0x8: {  	s26 =	simm.s32 $0x5;
	s28 =	simm.s32 $0x0;
	s0 =	sand.u32 $0x1, s0  }
0x9: {  	s3 =	sshll.u32 s6, $0x1;
	s6 =	sshll.u32 s6, $0xD;
	s7 =	sadd.s32 $0x400, s1  }
0xa: {  	s9 =	sadd.s32 $0x800, s1;
	s10 =	sadd.s32 $0xA00, s1;
	s4 =	sor.u32 s0, s3  }
0xb: {  	s3 =	simm.s32 $0x0;
	s0 =	ssub.s32 $0x2, s0;
	s5 =	smul.u32 $0x30D4, s4  }
.Ltmp0:
0xc: {  	[smem:$0x7FF] =	sst s3;
	s4 =	sshll.u32 s4, $0x7;
	(pc) =	sbr.rel .LBB2_1-.Ltmp0, $4  }
0xd: {  	s31 =	sshrl.u32 s0, $0x1;
	_ =	strace $0x80000047;
	[dreg:$0x3] =	wrdreg s7  }
0xe: {  	s4 =	sor.u32 s6, s4;
	s0 =	ssub.s32 s0, s31;
	s5 =	sadd.s32 s5, s1  }
0xf: {  	s7 =	sadd.s32 $0x600, s1;
	s6 =	sand.u32 $0x18380, s4;
	s5 =	sadd.s32 $0x6800, s5  }
0x10: {  	s11 =	smax.u32 s0, $0x1;
	s8 =	sor.u32 $0x20000, s6;
	[dreg:$0x4] =	wrdreg s5  }
.LBB2_12:
0x11: {  	_ =	swait.ge [sflag:s25], $0x1000  }
0x12: {  	[sflag:s25] =	ssyncset.done $0x0  }
0x13: {  	[sflag:s25] =	ssyncadd.s32 $0xFFFFF000  }
0x14: {  	_ =	swait.ge [sflag:s26], $0x1000  }
0x15: {  	[sflag:s26] =	ssyncset.done $0x0  }
0x16: {  	s28 =	sadd.s32 $0x1, s28;
	[sflag:s26] =	ssyncadd.s32 $0xFFFFF000  }
0x17: {  	p0 =	sne.s32 s28, s11;
	_ =	swait.ge [sflag:s21], $0x1000  }
.Ltmp1:
0x18: {  	[sflag:s21] =	ssyncset.done $0x0;
	(pc) =	sbr.rel @!p0 .LBB2_13-.Ltmp1, $4  }
0x19: {  	[sflag:s21] =	ssyncadd.s32 $0xFFFFF000  }
0x1a: {  	_ =	swait.ge [sflag:s22], $0x1000  }
0x1b: {  	[sflag:s22] =	ssyncset.done $0x0  }
0x1c: {  	[sflag:s22] =	ssyncadd.s32 $0xFFFFF000  }
.LBB2_1:
0x1d: {  	s0 =	rddreg [dreg:$0x4]  }
0x1e: {  	[tilespmem:s3], [sflag:$0x7] =	stream.linear.gather [hbm4b:s0+s3], $0x186A0, $0x38;
	[tilespmem:$0x1E6A0] =	vst v63  }
0x1f: {  	_ =	swait.ge [sflag:s12], $0x186A0  }
0x20: {  	[sflag:s12] =	ssyncset.done $0x0  }
0x21: {  	s31 =	rddreg [dreg:$0x3];
	[sflag:s12] =	ssyncadd.s32 $0xFFFE7960  }
0x22: {  	[tilespmem:s13], [sflag:$0x1] =	stream.linear.gather [hbm4b:s31+s3], $0x1000, $0x38;
	[tilespmem:$0x1E6A0] =	vst v63  }
0x23: {  	s29 =	simm.s32 $0x0  }
0x24: {  	[tilespmem:s14], [sflag:$0x2] =	stream.linear.gather [hbm4b:s7+s3], $0x1000, $0x38;
	[tilespmem:$0x1E6A0] =	vst v63  }
.LBB2_2:
0x25: {  	_ =	swait.ge [sflag:s15], $0x1000  }
0x26: {  	p0 =	seq.s32 s29, $0x0;
	[sflag:s15] =	ssyncset.done $0x0  }
0x27: {  	s0 =	simm.s32 @!p0 $0x3;
	[sflag:s15] =	ssyncadd.s32 $0xFFFFF000  }
0x28: {  	_ =	swait.ge @!p0 [sflag:s0], $0x1000  }
0x29: {  	[sflag:s0] =	ssyncset.done @!p0 $0x0  }
0x2a: {  	[sflag:s0] =	ssyncadd.s32 @!p0 $0xFFFFF000;
	s0 =	simm.s32 @!p0 $0x5  }
0x2b: {  	_ =	swait.ge @!p0 [sflag:s0], $0x1000  }
0x2c: {  	[sflag:s0] =	ssyncset.done @!p0 $0x0  }
0x2d: {  	s5 =	simm.s32 $0x186E0;
	[sflag:s0] =	ssyncadd.s32 @!p0 $0xFFFFF000  }
0x2e: {  	v0 =	vld [tilespmem:s5+$0x30]  }
0x2f: {  	v1 =	vld [tilespmem:s5+$0xFFFFFFD0]  }
0x30: {  	v2 =	vld [tilespmem:s5+$0xFFFFFFE0]  }
0x31: {  	v3 =	vld [tilespmem:s5+$0xFFFFFFF0]  }
0x32: {  	v4 =	vld [tilespmem:s5+$0x0]  }
0x33: {  	v6 =	vld [tilespmem:s5+$0x10]  }
0x34: {  	v7 =	vld [tilespmem:s5+$0x20]  }
0x35: {  	v8 =	vld [tilespmem:s5+$0xFFFFFFC0]  }
0x36: {  	v9 =	vld.idx.msk [tilespmem:v0+s3+$0x0], $0xffff  }
0x37: {  	v10 =	vld.idx.msk [tilespmem:v1+s3+$0x0], $0xffff  }
0x38: {  	v5 =	vld.idx.msk [tilespmem:v2+s3+$0x0], $0xffff  }
0x39: {  	v3 =	vld.idx.msk [tilespmem:v3+s3+$0x0], $0xffff  }
0x3a: {  	v2 =	vld.idx.msk [tilespmem:v4+s3+$0x0], $0xffff  }
0x3b: {  	v1 =	vld.idx.msk [tilespmem:v6+s3+$0x0], $0xffff  }
0x3c: {  	s30 =	sshll.u32 s29, $0xA;
	s0 =	simm.s32 $0x1A6E0;
	v0 =	vld.idx.msk [tilespmem:v7+s3+$0x0], $0xffff;
	v11 =	vshll.u32 v9, $0x10  }
0x3d: {  	s1 =	simm.s32 $0x1C6E0;
	s31 =	simm.s32 $0x0;
	s4 =	simm.s32 $0x18760;
	v4 =	vld.idx.msk [tilespmem:v8+s3+$0x0], $0xffff;
	v7 =	vshll.u32 v10, $0x10;
	v6 =	vand.u32 $0xFFFF0000, v10;
	v8 =	vand.u32 $0xFFFF0000, v9;
	[tilespmem:s0+$0x30] =	vst v11  }
.LBB2_3:
0x3e: {  	v9 =	vld [tilespmem:s4+$0x30];
	v10 =	vshll.u32 v5, $0x10;
	v5 =	vand.u32 $0xFFFF0000, v5;
	[tilespmem:s1+$0x30] =	vst v8  }
0x3f: {  	s31 =	sadd.s32 $0x8, s31;
	v8 =	vld [tilespmem:s4+$0xFFFFFFD0];
	[tilespmem:s0+$0xFFFFFFD0] =	vst v7;
	v7 =	vshll.u32 v3, $0x10;
	v3 =	vand.u32 $0xFFFF0000, v3  }
0x40: {  	p1 =	slt.u32 s31, $0xF8;
	v11 =	vld [tilespmem:s4+$0xFFFFFFE0];
	[tilespmem:s1+$0xFFFFFFD0] =	vst v6;
	v6 =	vshll.u32 v2, $0x10;
	v2 =	vand.u32 $0xFFFF0000, v2  }
0x41: {  	v12 =	vld [tilespmem:s4+$0xFFFFFFF0];
	[tilespmem:s0+$0xFFFFFFE0] =	vst v10;
	v10 =	vshll.u32 v1, $0x10;
	v1 =	vand.u32 $0xFFFF0000, v1  }
0x42: {  	v14 =	vshll.u32 v0, $0x10;
	v15 =	vand.u32 $0xFFFF0000, v0;
	v13 =	vld [tilespmem:s4+$0x0];
	[tilespmem:s1+$0xFFFFFFE0] =	vst v5  }
0x43: {  	v5 =	vshll.u32 v4, $0x10;
	v4 =	vand.u32 $0xFFFF0000, v4;
	v0 =	vld [tilespmem:s4+$0x10];
	[tilespmem:s0+$0xFFFFFFF0] =	vst v7  }
0x44: {  	v7 =	vld [tilespmem:s4+$0x20];
	[tilespmem:s0+$0xFFFFFFC0] =	vst v5  }
0x45: {  	v16 =	vld [tilespmem:s4+$0xFFFFFFC0];
	[tilespmem:s1+$0xFFFFFFC0] =	vst v4  }
0x46: {  	v9 =	vld.idx.msk [tilespmem:v9+s3+$0x0], $0xffff;
	[tilespmem:s1+$0xFFFFFFF0] =	vst v3  }
0x47: {  	v8 =	vld.idx.msk [tilespmem:v8+s3+$0x0], $0xffff;
	[tilespmem:s0+$0x0] =	vst v6  }
0x48: {  	v5 =	vld.idx.msk [tilespmem:v11+s3+$0x0], $0xffff;
	[tilespmem:s1+$0x0] =	vst v2  }
.Ltmp2:
0x49: {  	v3 =	vld.idx.msk [tilespmem:v12+s3+$0x0], $0xffff;
	[tilespmem:s0+$0x10] =	vst v10;
	(pc) =	sbr.rel @p1 .LBB2_3-.Ltmp2, $4  }
0x4a: {  	v2 =	vld.idx.msk [tilespmem:v13+s3+$0x0], $0xffff;
	[tilespmem:s1+$0x10] =	vst v1  }
0x4b: {  	v1 =	vld.idx.msk [tilespmem:v0+s3+$0x0], $0xffff;
	[tilespmem:s0+$0x20] =	vst v14  }
0x4c: {  	v10 =	vshll.u32 v9, $0x10;
	s0 =	sadd.s32 $0x80, s0;
	v0 =	vld.idx.msk [tilespmem:v7+s3+$0x0], $0xffff;
	[tilespmem:s1+$0x20] =	vst v15  }
0x4d: {  	s4 =	sadd.s32 $0x80, s4;
	v7 =	vshll.u32 v8, $0x10;
	v6 =	vand.u32 $0xFFFF0000, v8;
	v8 =	vand.u32 $0xFFFF0000, v9;
	s1 =	sadd.s32 $0x80, s1;
	v4 =	vld.idx.msk [tilespmem:v16+s3+$0x0], $0xffff;
	[tilespmem:s0+$0x30] =	vst v10  }
0x4e: {  	[tilespmem:s1+$0x30] =	vst v8  }
0x4f: {  	[tilespmem:s0+$0xFFFFFFD0] =	vst v7  }
0x50: {  	v52 =	vshll.u32 v5, $0x10;
	[tilespmem:s1+$0xFFFFFFD0] =	vst v6  }
0x51: {  	v54 =	vshll.u32 v3, $0x10;
	[tilespmem:s0+$0xFFFFFFE0] =	vst v52  }
0x52: {  	v53 =	vand.u32 $0xFFFF0000, v5;
	[tilespmem:s0+$0xFFFFFFF0] =	vst v54  }
0x53: {  	v57 =	vand.u32 $0xFFFF0000, v3;
	[tilespmem:s1+$0xFFFFFFE0] =	vst v53  }
0x54: {  	v58 =	vshll.u32 v2, $0x10;
	[tilespmem:s1+$0xFFFFFFF0] =	vst v57  }
0x55: {  	v59 =	vand.u32 $0xFFFF0000, v2;
	[tilespmem:s0+$0x0] =	vst v58  }
0x56: {  	v60 =	vshll.u32 v1, $0x10;
	[tilespmem:s1+$0x0] =	vst v59  }
0x57: {  	v61 =	vshll.u32 v0, $0x10;
	[tilespmem:s0+$0x10] =	vst v60  }
0x58: {  	v62 =	vand.u32 $0xFFFF0000, v1;
	[tilespmem:s0+$0x20] =	vst v61  }
0x59: {  	s31 =	sshll.u32 s29, $0x13;
	v55 =	vshll.u32 v4, $0x10;
	[tilespmem:s1+$0x10] =	vst v62  }
0x5a: {  	s4 =	sor.u32 s31, s6;
	v63 =	vand.u32 $0xFFFF0000, v0;
	[tilespmem:s0+$0xFFFFFFC0] =	vst v55  }
0x5b: {  	p1 =	sne.s32 s29, $0x18;
	v56 =	vand.u32 $0xFFFF0000, v4;
	s0 =	sshrl.u32 s4, $0x3;
	[tilespmem:s1+$0x20] =	vst v63  }
.Ltmp3:
0x5c: {  	s5 =	sor.u32 s31, s8;
	[tilespmem:s1+$0xFFFFFFC0] =	vst v56;
	s0 =	sadd.s32 s2, s0;
	(pc) =	sbr.rel @p1 .LBB2_6-.Ltmp3, $4  }
0x5d: {  	[hbm4b:s0+s16] =	stream.strided.scatter [tilespmem:s18], [sflag:$0x3], $0x1000, s17, s16, $0x38;
	[tilespmem:$0x1E6A0] =	vst v63  }
0x5e: {  	s0 =	sshrl.u32 s5, $0x3  }
0x5f: {  	s0 =	sadd.s32 s2, s0  }
0x60: {  	[hbm4b:s0+s16] =	stream.strided.scatter [tilespmem:s19], [sflag:$0x5], $0x1000, s17, s16, $0x38;
	[tilespmem:$0x1E6A0] =	vst v63  }
.Ltmp4:
0x61: {  	(pc) =	sbr.rel .LBB2_7-.Ltmp4, $4  }
0x62: {  	_ = 	snop  }
0x63: {  	_ =	swait.ge [sflag:s20], $0x1000  }
0x64: {  	[sflag:s20] =	ssyncset.done $0x0  }
0x65: {  	[sflag:s20] =	ssyncadd.s32 $0xFFFFF000  }
.LBB2_6:
.Ltmp5:
0x66: {  	s0 =	sadd.s32 s30, s9;
	(pc) =	sbr.rel @p0 .LBB2_8-.Ltmp5, $4  }
0x67: {  	[tilespmem:s13], [sflag:$0x1] =	stream.linear.gather [hbm4b:s0+s3], $0x1000, $0x38;
	[tilespmem:$0x1E6A0] =	vst v63  }
0x68: {  	_ =	swait.ge [sflag:s20], $0x1000  }
0x69: {  	[sflag:s20] =	ssyncset.done $0x0  }
0x6a: {  	[sflag:s20] =	ssyncadd.s32 $0xFFFFF000  }
.LBB2_7:
0x6b: {  	_ =	swait.ge [sflag:s21], $0x1000  }
0x6c: {  	[sflag:s21] =	ssyncset.done $0x0  }
0x6d: {  	[sflag:s21] =	ssyncadd.s32 $0xFFFFF000  }
0x6e: {  	_ =	swait.ge [sflag:s22], $0x1000  }
0x6f: {  	[sflag:s22] =	ssyncset.done $0x0  }
0x70: {  	[sflag:s22] =	ssyncadd.s32 $0xFFFFF000  }
.LBB2_8:
0x71: {  	s0 =	simm.s32 $0x19710  }
0x72: {  	v0 =	vld [tilespmem:s0+$0x0]  }
0x73: {  	v1 =	vld [tilespmem:s0+$0xFFFFFFA0]  }
0x74: {  	v2 =	vld [tilespmem:s0+$0xFFFFFFB0]  }
0x75: {  	v3 =	vld [tilespmem:s0+$0xFFFFFFC0]  }
0x76: {  	v4 =	vld [tilespmem:s0+$0xFFFFFFD0]  }
0x77: {  	v6 =	vld [tilespmem:s0+$0xFFFFFFE0]  }
0x78: {  	v7 =	vld [tilespmem:s0+$0xFFFFFFF0]  }
0x79: {  	v8 =	vld [tilespmem:s0+$0xFFFFFF90]  }
0x7a: {  	v9 =	vld.idx.msk [tilespmem:v0+s3+$0x0], $0xffff  }
0x7b: {  	v10 =	vld.idx.msk [tilespmem:v1+s3+$0x0], $0xffff  }
0x7c: {  	v5 =	vld.idx.msk [tilespmem:v2+s3+$0x0], $0xffff  }
0x7d: {  	v3 =	vld.idx.msk [tilespmem:v3+s3+$0x0], $0xffff  }
0x7e: {  	v2 =	vld.idx.msk [tilespmem:v4+s3+$0x0], $0xffff  }
0x7f: {  	v1 =	vld.idx.msk [tilespmem:v6+s3+$0x0], $0xffff  }
0x80: {  	s0 =	simm.s32 $0x1B710;
	v0 =	vld.idx.msk [tilespmem:v7+s3+$0x0], $0xffff;
	v11 =	vshll.u32 v9, $0x10  }
0x81: {  	s1 =	simm.s32 $0x1D710;
	s4 =	simm.s32 $0x0;
	s5 =	simm.s32 $0x19790;
	v4 =	vld.idx.msk [tilespmem:v8+s3+$0x0], $0xffff;
	v7 =	vshll.u32 v10, $0x10;
	v6 =	vand.u32 $0xFFFF0000, v10;
	v8 =	vand.u32 $0xFFFF0000, v9;
	[tilespmem:s0+$0x0] =	vst v11  }
.LBB2_9:
0x82: {  	v9 =	vld [tilespmem:s5+$0x0];
	v10 =	vshll.u32 v5, $0x10;
	v5 =	vand.u32 $0xFFFF0000, v5;
	[tilespmem:s1+$0x0] =	vst v8  }
0x83: {  	s4 =	sadd.s32 $0x8, s4;
	v8 =	vld [tilespmem:s5+$0xFFFFFFA0];
	[tilespmem:s0+$0xFFFFFFA0] =	vst v7;
	v7 =	vshll.u32 v3, $0x10;
	v3 =	vand.u32 $0xFFFF0000, v3  }
0x84: {  	p0 =	slt.u32 s4, $0xF8;
	v11 =	vld [tilespmem:s5+$0xFFFFFFB0];
	[tilespmem:s1+$0xFFFFFFA0] =	vst v6;
	v6 =	vshll.u32 v2, $0x10;
	v2 =	vand.u32 $0xFFFF0000, v2  }
0x85: {  	v12 =	vld [tilespmem:s5+$0xFFFFFFC0];
	[tilespmem:s0+$0xFFFFFFB0] =	vst v10;
	v10 =	vshll.u32 v1, $0x10;
	v1 =	vand.u32 $0xFFFF0000, v1  }
0x86: {  	v14 =	vshll.u32 v0, $0x10;
	v15 =	vand.u32 $0xFFFF0000, v0;
	v13 =	vld [tilespmem:s5+$0xFFFFFFD0];
	[tilespmem:s1+$0xFFFFFFB0] =	vst v5  }
0x87: {  	v5 =	vshll.u32 v4, $0x10;
	v4 =	vand.u32 $0xFFFF0000, v4;
	v0 =	vld [tilespmem:s5+$0xFFFFFFE0];
	[tilespmem:s0+$0xFFFFFFC0] =	vst v7  }
0x88: {  	v7 =	vld [tilespmem:s5+$0xFFFFFFF0];
	[tilespmem:s0+$0xFFFFFF90] =	vst v5  }
0x89: {  	v16 =	vld [tilespmem:s5+$0xFFFFFF90];
	[tilespmem:s1+$0xFFFFFF90] =	vst v4  }
0x8a: {  	v9 =	vld.idx.msk [tilespmem:v9+s3+$0x0], $0xffff;
	[tilespmem:s1+$0xFFFFFFC0] =	vst v3  }
0x8b: {  	v8 =	vld.idx.msk [tilespmem:v8+s3+$0x0], $0xffff;
	[tilespmem:s0+$0xFFFFFFD0] =	vst v6  }
0x8c: {  	v5 =	vld.idx.msk [tilespmem:v11+s3+$0x0], $0xffff;
	[tilespmem:s1+$0xFFFFFFD0] =	vst v2  }
.Ltmp6:
0x8d: {  	v3 =	vld.idx.msk [tilespmem:v12+s3+$0x0], $0xffff;
	[tilespmem:s0+$0xFFFFFFE0] =	vst v10;
	(pc) =	sbr.rel @p0 .LBB2_9-.Ltmp6, $4  }
0x8e: {  	v2 =	vld.idx.msk [tilespmem:v13+s3+$0x0], $0xffff;
	[tilespmem:s1+$0xFFFFFFE0] =	vst v1  }
0x8f: {  	v1 =	vld.idx.msk [tilespmem:v0+s3+$0x0], $0xffff;
	[tilespmem:s0+$0xFFFFFFF0] =	vst v14  }
0x90: {  	v10 =	vshll.u32 v9, $0x10;
	s0 =	sadd.s32 $0x80, s0;
	v0 =	vld.idx.msk [tilespmem:v7+s3+$0x0], $0xffff;
	[tilespmem:s1+$0xFFFFFFF0] =	vst v15  }
0x91: {  	s5 =	sadd.s32 $0x80, s5;
	v7 =	vshll.u32 v8, $0x10;
	v6 =	vand.u32 $0xFFFF0000, v8;
	v8 =	vand.u32 $0xFFFF0000, v9;
	s1 =	sadd.s32 $0x80, s1;
	v4 =	vld.idx.msk [tilespmem:v16+s3+$0x0], $0xffff;
	[tilespmem:s0+$0x0] =	vst v10  }
0x92: {  	[tilespmem:s1+$0x0] =	vst v8  }
0x93: {  	[tilespmem:s0+$0xFFFFFFA0] =	vst v7  }
0x94: {  	v52 =	vshll.u32 v5, $0x10;
	[tilespmem:s1+$0xFFFFFFA0] =	vst v6  }
0x95: {  	v54 =	vshll.u32 v3, $0x10;
	[tilespmem:s0+$0xFFFFFFB0] =	vst v52  }
0x96: {  	v53 =	vand.u32 $0xFFFF0000, v5;
	[tilespmem:s0+$0xFFFFFFC0] =	vst v54  }
0x97: {  	v57 =	vand.u32 $0xFFFF0000, v3;
	[tilespmem:s1+$0xFFFFFFB0] =	vst v53  }
0x98: {  	v58 =	vshll.u32 v2, $0x10;
	[tilespmem:s1+$0xFFFFFFC0] =	vst v57  }
0x99: {  	v59 =	vand.u32 $0xFFFF0000, v2;
	[tilespmem:s0+$0xFFFFFFD0] =	vst v58  }
0x9a: {  	v60 =	vshll.u32 v1, $0x10;
	[tilespmem:s1+$0xFFFFFFD0] =	vst v59  }
0x9b: {  	v61 =	vshll.u32 v0, $0x10;
	[tilespmem:s0+$0xFFFFFFE0] =	vst v60  }
0x9c: {  	v62 =	vand.u32 $0xFFFF0000, v1;
	[tilespmem:s0+$0xFFFFFFF0] =	vst v61  }
0x9d: {  	s4 =	sor.u32 $0x40000, s31;
	v55 =	vshll.u32 v4, $0x10;
	[tilespmem:s1+$0xFFFFFFE0] =	vst v62  }
0x9e: {  	s5 =	sor.u32 s4, s6;
	v63 =	vand.u32 $0xFFFF0000, v0;
	[tilespmem:s0+$0xFFFFFF90] =	vst v55  }
0x9f: {  	p0 =	seq.s32 s29, $0x18;
	v56 =	vand.u32 $0xFFFF0000, v4;
	s0 =	sshrl.u32 s5, $0x3;
	[tilespmem:s1+$0xFFFFFFF0] =	vst v63  }
.Ltmp7:
0xa0: {  	s31 =	sor.u32 s4, s8;
	[tilespmem:s1+$0xFFFFFF90] =	vst v56;
	s0 =	sadd.s32 s2, s0;
	(pc) =	sbr.rel @p0 .LBB2_12-.Ltmp7, $4  }
0xa1: {  	[hbm4b:s0+s16] =	stream.strided.scatter [tilespmem:s23], [sflag:$0x4], $0x1000, s17, s16, $0x38;
	[tilespmem:$0x1E6A0] =	vst v63  }
0xa2: {  	s0 =	sshrl.u32 s31, $0x3  }
0xa3: {  	s0 =	sadd.s32 s2, s0  }
0xa4: {  	[hbm4b:s0+s16] =	stream.strided.scatter [tilespmem:s24], [sflag:$0x6], $0x1000, s17, s16, $0x38;
	[tilespmem:$0x1E6A0] =	vst v63  }
.Ltmp8:
0xa5: {  	(pc) =	sbr.rel .LBB2_2-.Ltmp8, $3  }
0xa6: {  	_ =	sdelay $0x1  }
0xa7: {  	s0 =	sadd.s32 s30, s10;
	s29 =	sadd.s32 $0x1, s29  }
0xa8: {  	[tilespmem:s14], [sflag:$0x2] =	stream.linear.gather [hbm4b:s0+s3], $0x1000, $0x38;
	[tilespmem:$0x1E6A0] =	vst v63  }
.LBB2_13:
0xa9: {  	_ =	sfence.sel $0x180000  }
0xaa: {  	[bflag:$0x0] =	sbarrier.arrive $0xFFFF  }
0xab: {  	_ =	strace $0x90000047  }
0xac: {  	s0 =	stileid.u32;
	[bflag:$0x2] =	sbarrier.arrive $0xFFFF  }
0xad: {  	p0 =	sne.s32 s0, $0x0;
	s0 =	rddreg [dreg:$0x2]  }
0xae: {  	s0 =	sadd.s32 @!p0 $0x100000, s0  }
0xaf: {  	[sflag:s0] =	ssyncadd.tile.s32 @!p0 $0x1;
	_ =	shalt  }
.Lfunc_end2:
_tile_overlayer_lowered:
.L_overlay_start_2:
0xb0: {  	(tag) =	ssettag $0x2  }
0xb1: {  	s0 =	rddreg [dreg:$0x0];
	s2 =	stileid.u32  }
0xb2: {  	s1 =	rddreg [dreg:$0x1];
	p0 =	sne.s32 s2, $0x0  }
0xb3: {  	s3 =	rddreg [dreg:$0x2];
	[bflag:$0x3] =	sbarrier.arrive $0xFFFF;
	s2 =	simm.s32 @!p0 $0x1C07  }
0xb4: {  	[timem:s3], [sflag:s2] =	dma.local @!p0 [hbm:s0], s1  }
0xb5: {  	s0 =	simm.s32 @!p0 $0x7  }
0xb6: {  	_ =	swait.ge @!p0 [sflag:s0], s1  }
0xb7: {  	s1 =	ssub.s32 @!p0 $0x0, s1;
	[sflag:s0] =	ssyncset.done @!p0 $0x0  }
0xb8: {  	[sflag:s0] =	ssyncadd.s32 @!p0 s1  }
0xb9: {  	[bflag:$0x3] =	sbarrier.arrive $0xFFFF  }
0xba: {  	_ =	shalt  }

</sc_bundles>
